<compile_context>
chip_gen: v7x
topology: tpu7x:2x2x1
jax: 0.10.2.dev20260603
libtpu: 0.0.44.dev20260713+nightly
codegen_flags: <defaults>
</compile_context>

<pallas_src>
import functools

import jax
import jax.numpy as jnp
from jax import lax
from jax.experimental import pallas as pl
from jax.experimental.pallas import tpu as pltpu
from jax.experimental.pallas import tpu_sc as plsc

BATCH = 16384
HIST = 50
EMBED_DIM = 32
LANES = 16

_info = plsc.get_sparse_core_info()
NUM_CORES = _info.num_cores
NUM_SUBCORES = _info.num_subcores
NUM_WORKERS = NUM_CORES * NUM_SUBCORES
BPW = BATCH // NUM_WORKERS
NGROUPS = BPW // LANES

_mesh = plsc.VectorSubcoreMesh(core_axis_name="c", subcore_axis_name="s")


@functools.partial(
    pl.kernel,
    mesh=_mesh,
    out_type=jax.ShapeDtypeStruct((HIST, EMBED_DIM, BATCH), jnp.float32),
    scratch_types=[
        pltpu.VMEM((HIST, BPW), jnp.int32),
        pltpu.VMEM((2, BPW, EMBED_DIM), jnp.float32),
        pltpu.VMEM((2, EMBED_DIM, BPW), jnp.float32),
        pltpu.SemaphoreType.DMA,
        pltpu.SemaphoreType.DMA,
    ],
    compiler_params=pltpu.CompilerParams(
        use_tc_tiling_on_sc=False,
        needs_layout_passes=False,
        disable_bounds_checks=True,
    ),
)
def _gather_t(xt_hbm, table_hbm, out_hbm, idx_all, rows_v, tr_v, gsem, osem):
    wid = lax.axis_index("s") * NUM_CORES + lax.axis_index("c")
    b0 = wid * BPW

    iota = lax.iota(jnp.int32, LANES)
    group_rows = [iota + (g * LANES) for g in range(NGROUPS)]

    pltpu.sync_copy(xt_hbm.at[:, pl.ds(b0, BPW)], idx_all)

    def start_gather(h, slot):
        pltpu.async_copy(table_hbm.at[idx_all.at[h]], rows_v.at[slot], gsem)

    def wait_gather():
        pltpu.make_async_copy(
            table_hbm.at[pl.ds(0, BPW)], rows_v.at[0], gsem
        ).wait()

    def start_write(h, slot):
        pltpu.async_copy(tr_v.at[slot], out_hbm.at[h, :, pl.ds(b0, BPW)], osem)

    def wait_write():
        pltpu.make_async_copy(
            tr_v.at[0], out_hbm.at[0, :, pl.ds(b0, BPW)], osem
        ).wait()

    def transpose_block(slot):
        slot_splat = jnp.full((LANES,), 0, jnp.int32) + slot

        def d_body(d, c):
            diag = (iota + d) & (EMBED_DIM - 1)
            for g in range(NGROUPS):
                vals = plsc.load_gather(rows_v, [slot_splat, group_rows[g], diag])
                plsc.store_scatter(tr_v, [slot_splat, diag, group_rows[g]], vals)
            return c

        lax.fori_loop(0, EMBED_DIM, d_body, 0)


    start_gather(0, 0)
    start_gather(1, 1)
    wait_gather()
    transpose_block(0)
    start_write(0, 0)
    start_gather(2, 0)
    wait_gather()
    transpose_block(1)
    start_write(1, 1)
    start_gather(3, 1)

    def h_body(h, c):
        slot = h % 2
        wait_gather()
        wait_write()
        transpose_block(slot)
        start_write(h, slot)
        start_gather(jnp.minimum(h + 2, HIST - 1), slot)
        return c

    lax.fori_loop(2, HIST, h_body, 0)
    wait_gather()
    wait_gather()
    wait_write()
    wait_write()


def kernel(x, table):
    xt = x.astype(jnp.int32).T
    out_t = _gather_t(xt, table)
    return out_t.transpose(2, 0, 1)

# --- scband reference (transcript-rebuilt; emitter-appended) ---
"""Pipeline reference for scband-embedder-31207232373362 (READ-ONLY COPY).

The authoritative reference and input builder live on the scoring server;
editing this copy changes nothing except your own understanding.
"""

import jax, jax.numpy as jnp
import numpy as np

VOCAB = 1000000
EMBED_DIM = 32
BATCH = 16384
HIST = 50

def setup_inputs(seed: int = 0) -> dict:
    key = jax.random.key(seed)
    k_idx, k_tab = jax.random.split(key)
    x = jax.random.randint(k_idx, (BATCH, HIST), 0, VOCAB, dtype=jnp.int64)
    table = jax.random.normal(k_tab, (VOCAB, EMBED_DIM), dtype=jnp.float32)
    return {"x": x, "table": table}

def reference(x, table):
    # nn.Embedding forward: row gather from the embedding table
    return jnp.take(table, x, axis=0)

if __name__ == "__main__":
    import jax
    _d = setup_inputs()
    print(jax.jit(kernel)(*tuple(_d.values())))

</pallas_src>

<mosaic_0001>
#map = affine_map<(d0, d1) -> (0, 0)>
#map1 = affine_map<(d0, d1) -> (0, 0, 0)>
module attributes {stable_mosaic.version = 14 : i64} {
  func.func @_gather_t(%arg0: i32, %arg1: i32, %arg2: memref<50x16384xi32, #tpu.memory_space<hbm>>, %arg3: memref<1000000x32xf32, #tpu.memory_space<hbm>>, %arg4: memref<50x32x16384xf32, #tpu.memory_space<hbm>>, %arg5: memref<50x512xi32, #tpu.memory_space<vmem>>, %arg6: memref<2x512x32xf32, #tpu.memory_space<vmem>>, %arg7: memref<2x32x512xf32, #tpu.memory_space<vmem>>, %arg8: memref<!tpu.dma_semaphore, #tpu.memory_space<semaphore_mem>>, %arg9: memref<!tpu.dma_semaphore, #tpu.memory_space<semaphore_mem>>) attributes {dimension_semantics = [#tpu.dimension_semantics<core_parallel>, #tpu.dimension_semantics<subcore_parallel>], iteration_bounds = array<i64: 2, 16>, scalar_prefetch = 0 : i64, scratch_operands = 5 : i64, tpu.core_type = #tpu.core_type<sc_vector_subcore>, window_params = [{transform_indices = #map}, {transform_indices = #map}, {transform_indices = #map1}]} {
    %mul3A = arith.constant 2 : i32
    %mul3A_0 = arith.muli %arg1, %mul3A : i32
    %add3A = arith.addi %mul3A_0, %arg0 : i32
    %mul3A_1 = arith.constant 512 : i32
    %mul3A_2 = arith.muli %add3A, %mul3A_1 : i32
    %iota3A = tpu.iota {dimensions = array<i32: 0>} : vector<16xi32>
    %add3A_3 = arith.constant 0 : i32
    %add3A_4 = vector.broadcast %add3A_3 : i32 to vector<16xi32>
    %add3A_5 = arith.addi %iota3A, %add3A_4 : vector<16xi32>
    %add3A_6 = arith.constant 16 : i32
    %add3A_7 = vector.broadcast %add3A_6 : i32 to vector<16xi32>
    %add3A_8 = arith.addi %iota3A, %add3A_7 : vector<16xi32>
    %add3A_9 = arith.constant 32 : i32
    %add3A_10 = vector.broadcast %add3A_9 : i32 to vector<16xi32>
    %add3A_11 = arith.addi %iota3A, %add3A_10 : vector<16xi32>
    %add3A_12 = arith.constant 48 : i32
    %add3A_13 = vector.broadcast %add3A_12 : i32 to vector<16xi32>
    %add3A_14 = arith.addi %iota3A, %add3A_13 : vector<16xi32>
    %add3A_15 = arith.constant 64 : i32
    %add3A_16 = vector.broadcast %add3A_15 : i32 to vector<16xi32>
    %add3A_17 = arith.addi %iota3A, %add3A_16 : vector<16xi32>
    %add3A_18 = arith.constant 80 : i32
    %add3A_19 = vector.broadcast %add3A_18 : i32 to vector<16xi32>
    %add3A_20 = arith.addi %iota3A, %add3A_19 : vector<16xi32>
    %add3A_21 = arith.constant 96 : i32
    %add3A_22 = vector.broadcast %add3A_21 : i32 to vector<16xi32>
    %add3A_23 = arith.addi %iota3A, %add3A_22 : vector<16xi32>
    %add3A_24 = arith.constant 112 : i32
    %add3A_25 = vector.broadcast %add3A_24 : i32 to vector<16xi32>
    %add3A_26 = arith.addi %iota3A, %add3A_25 : vector<16xi32>
    %add3A_27 = arith.constant 128 : i32
    %add3A_28 = vector.broadcast %add3A_27 : i32 to vector<16xi32>
    %add3A_29 = arith.addi %iota3A, %add3A_28 : vector<16xi32>
    %add3A_30 = arith.constant 144 : i32
    %add3A_31 = vector.broadcast %add3A_30 : i32 to vector<16xi32>
    %add3A_32 = arith.addi %iota3A, %add3A_31 : vector<16xi32>
    %add3A_33 = arith.constant 160 : i32
    %add3A_34 = vector.broadcast %add3A_33 : i32 to vector<16xi32>
    %add3A_35 = arith.addi %iota3A, %add3A_34 : vector<16xi32>
    %add3A_36 = arith.constant 176 : i32
    %add3A_37 = vector.broadcast %add3A_36 : i32 to vector<16xi32>
    %add3A_38 = arith.addi %iota3A, %add3A_37 : vector<16xi32>
    %add3A_39 = arith.constant 192 : i32
    %add3A_40 = vector.broadcast %add3A_39 : i32 to vector<16xi32>
    %add3A_41 = arith.addi %iota3A, %add3A_40 : vector<16xi32>
    %add3A_42 = arith.constant 208 : i32
    %add3A_43 = vector.broadcast %add3A_42 : i32 to vector<16xi32>
    %add3A_44 = arith.addi %iota3A, %add3A_43 : vector<16xi32>
    %add3A_45 = arith.constant 224 : i32
    %add3A_46 = vector.broadcast %add3A_45 : i32 to vector<16xi32>
    %add3A_47 = arith.addi %iota3A, %add3A_46 : vector<16xi32>
    %add3A_48 = arith.constant 240 : i32
    %add3A_49 = vector.broadcast %add3A_48 : i32 to vector<16xi32>
    %add3A_50 = arith.addi %iota3A, %add3A_49 : vector<16xi32>
    %add3A_51 = arith.constant 256 : i32
    %add3A_52 = vector.broadcast %add3A_51 : i32 to vector<16xi32>
    %add3A_53 = arith.addi %iota3A, %add3A_52 : vector<16xi32>
    %add3A_54 = arith.constant 272 : i32
    %add3A_55 = vector.broadcast %add3A_54 : i32 to vector<16xi32>
    %add3A_56 = arith.addi %iota3A, %add3A_55 : vector<16xi32>
    %add3A_57 = arith.constant 288 : i32
    %add3A_58 = vector.broadcast %add3A_57 : i32 to vector<16xi32>
    %add3A_59 = arith.addi %iota3A, %add3A_58 : vector<16xi32>
    %add3A_60 = arith.constant 304 : i32
    %add3A_61 = vector.broadcast %add3A_60 : i32 to vector<16xi32>
    %add3A_62 = arith.addi %iota3A, %add3A_61 : vector<16xi32>
    %add3A_63 = arith.constant 320 : i32
    %add3A_64 = vector.broadcast %add3A_63 : i32 to vector<16xi32>
    %add3A_65 = arith.addi %iota3A, %add3A_64 : vector<16xi32>
    %add3A_66 = arith.constant 336 : i32
    %add3A_67 = vector.broadcast %add3A_66 : i32 to vector<16xi32>
    %add3A_68 = arith.addi %iota3A, %add3A_67 : vector<16xi32>
    %add3A_69 = arith.constant 352 : i32
    %add3A_70 = vector.broadcast %add3A_69 : i32 to vector<16xi32>
    %add3A_71 = arith.addi %iota3A, %add3A_70 : vector<16xi32>
    %add3A_72 = arith.constant 368 : i32
    %add3A_73 = vector.broadcast %add3A_72 : i32 to vector<16xi32>
    %add3A_74 = arith.addi %iota3A, %add3A_73 : vector<16xi32>
    %add3A_75 = arith.constant 384 : i32
    %add3A_76 = vector.broadcast %add3A_75 : i32 to vector<16xi32>
    %add3A_77 = arith.addi %iota3A, %add3A_76 : vector<16xi32>
    %add3A_78 = arith.constant 400 : i32
    %add3A_79 = vector.broadcast %add3A_78 : i32 to vector<16xi32>
    %add3A_80 = arith.addi %iota3A, %add3A_79 : vector<16xi32>
    %add3A_81 = arith.constant 416 : i32
    %add3A_82 = vector.broadcast %add3A_81 : i32 to vector<16xi32>
    %add3A_83 = arith.addi %iota3A, %add3A_82 : vector<16xi32>
    %add3A_84 = arith.constant 432 : i32
    %add3A_85 = vector.broadcast %add3A_84 : i32 to vector<16xi32>
    %add3A_86 = arith.addi %iota3A, %add3A_85 : vector<16xi32>
    %add3A_87 = arith.constant 448 : i32
    %add3A_88 = vector.broadcast %add3A_87 : i32 to vector<16xi32>
    %add3A_89 = arith.addi %iota3A, %add3A_88 : vector<16xi32>
    %add3A_90 = arith.constant 464 : i32
    %add3A_91 = vector.broadcast %add3A_90 : i32 to vector<16xi32>
    %add3A_92 = arith.addi %iota3A, %add3A_91 : vector<16xi32>
    %add3A_93 = arith.constant 480 : i32
    %add3A_94 = vector.broadcast %add3A_93 : i32 to vector<16xi32>
    %add3A_95 = arith.addi %iota3A, %add3A_94 : vector<16xi32>
    %add3A_96 = arith.constant 496 : i32
    %add3A_97 = vector.broadcast %add3A_96 : i32 to vector<16xi32>
    %add3A_98 = arith.addi %iota3A, %add3A_97 : vector<16xi32>
    "tpu.region"() ({
      %run_scoped3A = tpu.sem_alloc : memref<!tpu.dma_semaphore, #tpu.memory_space<semaphore_mem>>
      %dma_start3A_295 = arith.constant 0 : i32
      %dma_start3A_296 = tpu.memref_slice %arg2[%dma_start3A_295, %mul3A_2] : memref<50x16384xi32, #tpu.memory_space<hbm>> -> memref<50x512xi32, #tpu.memory_space<hbm>>
      %dma_start3A_297 = arith.constant 0 : i32
      %dma_start3A_298 = tpu.memref_slice %arg2[%dma_start3A_297, %mul3A_2] : memref<50x16384xi32, #tpu.memory_space<hbm>> -> memref<50x512xi32, #tpu.memory_space<hbm>>
      tpu.enqueue_dma source(%dma_start3A_298 : memref<50x512xi32, #tpu.memory_space<hbm>>) target(%arg5 : memref<50x512xi32, #tpu.memory_space<vmem>>) target_semaphore(%run_scoped3A : memref<!tpu.dma_semaphore, #tpu.memory_space<semaphore_mem>>)
      %dma_wait3A_299 = arith.constant 0 : i32
      %dma_wait3A_300 = tpu.memref_slice %arg2[%dma_wait3A_299, %mul3A_2] : memref<50x16384xi32, #tpu.memory_space<hbm>> -> memref<50x512xi32, #tpu.memory_space<hbm>>
      %dma_wait3A_301 = arith.constant 0 : i32
      %dma_wait3A_302 = tpu.memref_slice %arg2[%dma_wait3A_301, %mul3A_2] : memref<50x16384xi32, #tpu.memory_space<hbm>> -> memref<50x512xi32, #tpu.memory_space<hbm>>
      tpu.wait_dma2 semaphore(%run_scoped3A : memref<!tpu.dma_semaphore, #tpu.memory_space<semaphore_mem>>) src(%dma_wait3A_302 : memref<50x512xi32, #tpu.memory_space<hbm>>) dst(%arg5 : memref<50x512xi32, #tpu.memory_space<vmem>>)
      tpu.yield
    }) : () -> ()
    %dma_start3A = arith.constant 0 : i32
    %dma_start3A_99 = arith.constant 0 : i32
    %dma_start3A_100 = arith.constant 0 : i32
    %dma_start3A_101 = arith.constant 0 : i32
    %dma_start3A_102 = tpu.memref_slice %arg6[%dma_start3A_99, %dma_start3A_100, %dma_start3A_101] : memref<2x512x32xf32, #tpu.memory_space<vmem>> -> memref<1x512x32xf32, #tpu.memory_space<vmem>>
    %dma_start3A_103 = tpu.memref_squeeze %dma_start3A_102 : memref<1x512x32xf32, #tpu.memory_space<vmem>> -> memref<512x32xf32, #tpu.memory_space<vmem>>
    %dma_start3A_104 = arith.constant 0 : i32
    %dma_start3A_105 = tpu.memref_slice %arg5[%dma_start3A, %dma_start3A_104] : memref<50x512xi32, #tpu.memory_space<vmem>> -> memref<1x512xi32, #tpu.memory_space<vmem>>
    %dma_start3A_106 = tpu.memref_squeeze %dma_start3A_105 : memref<1x512xi32, #tpu.memory_space<vmem>> -> memref<512xi32, #tpu.memory_space<vmem>>
    %dma_start3A_107 = arith.constant 0 : i32
    %dma_start3A_108 = arith.constant 0 : i32
    %dma_start3A_109 = tpu.memref_slice %arg3[%dma_start3A_107, %dma_start3A_108] : memref<1000000x32xf32, #tpu.memory_space<hbm>> -> memref<1000000x32xf32, #tpu.memory_space<hbm>>
    tpu.enqueue_indirect_dma source(%dma_start3A_109 : memref<1000000x32xf32, #tpu.memory_space<hbm>>) target(%dma_start3A_103 : memref<512x32xf32, #tpu.memory_space<vmem>>) offsets(%dma_start3A_106 : memref<512xi32, #tpu.memory_space<vmem>>) semaphore(%arg8 : memref<!tpu.dma_semaphore, #tpu.memory_space<semaphore_mem>>)
    %dma_start3A_110 = arith.constant 1 : i32
    %dma_start3A_111 = arith.constant 1 : i32
    %dma_start3A_112 = arith.constant 0 : i32
    %dma_start3A_113 = arith.constant 0 : i32
    %dma_start3A_114 = tpu.memref_slice %arg6[%dma_start3A_111, %dma_start3A_112, %dma_start3A_113] : memref<2x512x32xf32, #tpu.memory_space<vmem>> -> memref<1x512x32xf32, #tpu.memory_space<vmem>>
    %dma_start3A_115 = tpu.memref_squeeze %dma_start3A_114 : memref<1x512x32xf32, #tpu.memory_space<vmem>> -> memref<512x32xf32, #tpu.memory_space<vmem>>
    %dma_start3A_116 = arith.constant 0 : i32
    %dma_start3A_117 = tpu.memref_slice %arg5[%dma_start3A_110, %dma_start3A_116] : memref<50x512xi32, #tpu.memory_space<vmem>> -> memref<1x512xi32, #tpu.memory_space<vmem>>
    %dma_start3A_118 = tpu.memref_squeeze %dma_start3A_117 : memref<1x512xi32, #tpu.memory_space<vmem>> -> memref<512xi32, #tpu.memory_space<vmem>>
    %dma_start3A_119 = arith.constant 0 : i32
    %dma_start3A_120 = arith.constant 0 : i32
    %dma_start3A_121 = tpu.memref_slice %arg3[%dma_start3A_119, %dma_start3A_120] : memref<1000000x32xf32, #tpu.memory_space<hbm>> -> memref<1000000x32xf32, #tpu.memory_space<hbm>>
    tpu.enqueue_indirect_dma source(%dma_start3A_121 : memref<1000000x32xf32, #tpu.memory_space<hbm>>) target(%dma_start3A_115 : memref<512x32xf32, #tpu.memory_space<vmem>>) offsets(%dma_start3A_118 : memref<512xi32, #tpu.memory_space<vmem>>) semaphore(%arg8 : memref<!tpu.dma_semaphore, #tpu.memory_space<semaphore_mem>>)
    %dma_wait3A = arith.constant 0 : i32
    %dma_wait3A_122 = arith.constant 0 : i32
    %dma_wait3A_123 = arith.constant 0 : i32
    %dma_wait3A_124 = tpu.memref_slice %arg6[%dma_wait3A, %dma_wait3A_122, %dma_wait3A_123] : memref<2x512x32xf32, #tpu.memory_space<vmem>> -> memref<1x512x32xf32, #tpu.memory_space<vmem>>
    %dma_wait3A_125 = tpu.memref_squeeze %dma_wait3A_124 : memref<1x512x32xf32, #tpu.memory_space<vmem>> -> memref<512x32xf32, #tpu.memory_space<vmem>>
    %dma_wait3A_126 = arith.constant 0 : i32
    %dma_wait3A_127 = arith.constant 0 : i32
    %dma_wait3A_128 = tpu.memref_slice %arg3[%dma_wait3A_126, %dma_wait3A_127] : memref<1000000x32xf32, #tpu.memory_space<hbm>> -> memref<512x32xf32, #tpu.memory_space<hbm>>
    %dma_wait3A_129 = arith.constant 0 : i32
    %dma_wait3A_130 = arith.constant 0 : i32
    %dma_wait3A_131 = tpu.memref_slice %arg6[%dma_wait3A, %dma_wait3A_129, %dma_wait3A_130] : memref<2x512x32xf32, #tpu.memory_space<vmem>> -> memref<1x512x32xf32, #tpu.memory_space<vmem>>
    %dma_wait3A_132 = tpu.memref_squeeze %dma_wait3A_131 : memref<1x512x32xf32, #tpu.memory_space<vmem>> -> memref<512x32xf32, #tpu.memory_space<vmem>>
    %dma_wait3A_133 = arith.constant 0 : i32
    %dma_wait3A_134 = arith.constant 0 : i32
    %dma_wait3A_135 = tpu.memref_slice %arg3[%dma_wait3A_133, %dma_wait3A_134] : memref<1000000x32xf32, #tpu.memory_space<hbm>> -> memref<512x32xf32, #tpu.memory_space<hbm>>
    tpu.wait_dma2 semaphore(%arg8 : memref<!tpu.dma_semaphore, #tpu.memory_space<semaphore_mem>>) src(%dma_wait3A_135 : memref<512x32xf32, #tpu.memory_space<hbm>>) dst(%dma_wait3A_132 : memref<512x32xf32, #tpu.memory_space<vmem>>)
    %broadcast_in_dim3A = arith.constant 0 : i32
    %broadcast_in_dim3A_136 = vector.broadcast %broadcast_in_dim3A : i32 to vector<16xi32>
    %add3A_137 = arith.constant 0 : i32
    %add3A_138 = vector.broadcast %add3A_137 : i32 to vector<16xi32>
    %add3A_139 = arith.addi %broadcast_in_dim3A_136, %add3A_138 : vector<16xi32>
    %scan3A = arith.constant 0 : i32
    %scan3A_140 = arith.constant 0 : i32
    %scan3A_141 = arith.constant 32 : i32
    %scan3A_142 = arith.addi %scan3A_140, %scan3A_141 : i32
    %scan3A_143 = arith.constant 1 : i32
    scf.for %scan3A_295 = %scan3A_140 to %scan3A_142 step %scan3A_143  : i32 {
      %add3A_296 = vector.broadcast %scan3A_295 : i32 to vector<16xi32>
      %add3A_297 = arith.addi %iota3A, %add3A_296 : vector<16xi32>
      %and3A = arith.constant 31 : i32
      %and3A_298 = vector.broadcast %and3A : i32 to vector<16xi32>
      %and3A_299 = arith.andi %add3A_297, %and3A_298 : vector<16xi32>
      %gather3A = tpu.vector_load_idx %arg6[%add3A_139, %add3A_5, %and3A_299] : memref<2x512x32xf32, #tpu.memory_space<vmem>>[vector<16xi32>, vector<16xi32>, vector<16xi32>], vector<16xf32>,
      tpu.vector_store_idx %arg7[%add3A_139, %and3A_299, %add3A_5], %gather3A : memref<2x32x512xf32, #tpu.memory_space<vmem>>[vector<16xi32>, vector<16xi32>, vector<16xi32>], vector<16xf32>,
      %gather3A_300 = tpu.vector_load_idx %arg6[%add3A_139, %add3A_8, %and3A_299] : memref<2x512x32xf32, #tpu.memory_space<vmem>>[vector<16xi32>, vector<16xi32>, vector<16xi32>], vector<16xf32>,
      tpu.vector_store_idx %arg7[%add3A_139, %and3A_299, %add3A_8], %gather3A_300 : memref<2x32x512xf32, #tpu.memory_space<vmem>>[vector<16xi32>, vector<16xi32>, vector<16xi32>], vector<16xf32>,
      %gather3A_301 = tpu.vector_load_idx %arg6[%add3A_139, %add3A_11, %and3A_299] : memref<2x512x32xf32, #tpu.memory_space<vmem>>[vector<16xi32>, vector<16xi32>, vector<16xi32>], vector<16xf32>,
      tpu.vector_store_idx %arg7[%add3A_139, %and3A_299, %add3A_11], %gather3A_301 : memref<2x32x512xf32, #tpu.memory_space<vmem>>[vector<16xi32>, vector<16xi32>, vector<16xi32>], vector<16xf32>,
      %gather3A_302 = tpu.vector_load_idx %arg6[%add3A_139, %add3A_14, %and3A_299] : memref<2x512x32xf32, #tpu.memory_space<vmem>>[vector<16xi32>, vector<16xi32>, vector<16xi32>], vector<16xf32>,
      tpu.vector_store_idx %arg7[%add3A_139, %and3A_299, %add3A_14], %gather3A_302 : memref<2x32x512xf32, #tpu.memory_space<vmem>>[vector<16xi32>, vector<16xi32>, vector<16xi32>], vector<16xf32>,
      %gather3A_303 = tpu.vector_load_idx %arg6[%add3A_139, %add3A_17, %and3A_299] : memref<2x512x32xf32, #tpu.memory_space<vmem>>[vector<16xi32>, vector<16xi32>, vector<16xi32>], vector<16xf32>,
      tpu.vector_store_idx %arg7[%add3A_139, %and3A_299, %add3A_17], %gather3A_303 : memref<2x32x512xf32, #tpu.memory_space<vmem>>[vector<16xi32>, vector<16xi32>, vector<16xi32>], vector<16xf32>,
      %gather3A_304 = tpu.vector_load_idx %arg6[%add3A_139, %add3A_20, %and3A_299] : memref<2x512x32xf32, #tpu.memory_space<vmem>>[vector<16xi32>, vector<16xi32>, vector<16xi32>], vector<16xf32>,
      tpu.vector_store_idx %arg7[%add3A_139, %and3A_299, %add3A_20], %gather3A_304 : memref<2x32x512xf32, #tpu.memory_space<vmem>>[vector<16xi32>, vector<16xi32>, vector<16xi32>], vector<16xf32>,
      %gather3A_305 = tpu.vector_load_idx %arg6[%add3A_139, %add3A_23, %and3A_299] : memref<2x512x32xf32, #tpu.memory_space<vmem>>[vector<16xi32>, vector<16xi32>, vector<16xi32>], vector<16xf32>,
      tpu.vector_store_idx %arg7[%add3A_139, %and3A_299, %add3A_23], %gather3A_305 : memref<2x32x512xf32, #tpu.memory_space<vmem>>[vector<16xi32>, vector<16xi32>, vector<16xi32>], vector<16xf32>,
      %gather3A_306 = tpu.vector_load_idx %arg6[%add3A_139, %add3A_26, %and3A_299] : memref<2x512x32xf32, #tpu.memory_space<vmem>>[vector<16xi32>, vector<16xi32>, vector<16xi32>], vector<16xf32>,
      tpu.vector_store_idx %arg7[%add3A_139, %and3A_299, %add3A_26], %gather3A_306 : memref<2x32x512xf32, #tpu.memory_space<vmem>>[vector<16xi32>, vector<16xi32>, vector<16xi32>], vector<16xf32>,
      %gather3A_307 = tpu.vector_load_idx %arg6[%add3A_139, %add3A_29, %and3A_299] : memref<2x512x32xf32, #tpu.memory_space<vmem>>[vector<16xi32>, vector<16xi32>, vector<16xi32>], vector<16xf32>,
      tpu.vector_store_idx %arg7[%add3A_139, %and3A_299, %add3A_29], %gather3A_307 : memref<2x32x512xf32, #tpu.memory_space<vmem>>[vector<16xi32>, vector<16xi32>, vector<16xi32>], vector<16xf32>,
      %gather3A_308 = tpu.vector_load_idx %arg6[%add3A_139, %add3A_32, %and3A_299] : memref<2x512x32xf32, #tpu.memory_space<vmem>>[vector<16xi32>, vector<16xi32>, vector<16xi32>], vector<16xf32>,
      tpu.vector_store_idx %arg7[%add3A_139, %and3A_299, %add3A_32], %gather3A_308 : memref<2x32x512xf32, #tpu.memory_space<vmem>>[vector<16xi32>, vector<16xi32>, vector<16xi32>], vector<16xf32>,
      %gather3A_309 = tpu.vector_load_idx %arg6[%add3A_139, %add3A_35, %and3A_299] : memref<2x512x32xf32, #tpu.memory_space<vmem>>[vector<16xi32>, vector<16xi32>, vector<16xi32>], vector<16xf32>,
      tpu.vector_store_idx %arg7[%add3A_139, %and3A_299, %add3A_35], %gather3A_309 : memref<2x32x512xf32, #tpu.memory_space<vmem>>[vector<16xi32>, vector<16xi32>, vector<16xi32>], vector<16xf32>,
      %gather3A_310 = tpu.vector_load_idx %arg6[%add3A_139, %add3A_38, %and3A_299] : memref<2x512x32xf32, #tpu.memory_space<vmem>>[vector<16xi32>, vector<16xi32>, vector<16xi32>], vector<16xf32>,
      tpu.vector_store_idx %arg7[%add3A_139, %and3A_299, %add3A_38], %gather3A_310 : memref<2x32x512xf32, #tpu.memory_space<vmem>>[vector<16xi32>, vector<16xi32>, vector<16xi32>], vector<16xf32>,
      %gather3A_311 = tpu.vector_load_idx %arg6[%add3A_139, %add3A_41, %and3A_299] : memref<2x512x32xf32, #tpu.memory_space<vmem>>[vector<16xi32>, vector<16xi32>, vector<16xi32>], vector<16xf32>,
      tpu.vector_store_idx %arg7[%add3A_139, %and3A_299, %add3A_41], %gather3A_311 : memref<2x32x512xf32, #tpu.memory_space<vmem>>[vector<16xi32>, vector<16xi32>, vector<16xi32>], vector<16xf32>,
      %gather3A_312 = tpu.vector_load_idx %arg6[%add3A_139, %add3A_44, %and3A_299] : memref<2x512x32xf32, #tpu.memory_space<vmem>>[vector<16xi32>, vector<16xi32>, vector<16xi32>], vector<16xf32>,
      tpu.vector_store_idx %arg7[%add3A_139, %and3A_299, %add3A_44], %gather3A_312 : memref<2x32x512xf32, #tpu.memory_space<vmem>>[vector<16xi32>, vector<16xi32>, vector<16xi32>], vector<16xf32>,
      %gather3A_313 = tpu.vector_load_idx %arg6[%add3A_139, %add3A_47, %and3A_299] : memref<2x512x32xf32, #tpu.memory_space<vmem>>[vector<16xi32>, vector<16xi32>, vector<16xi32>], vector<16xf32>,
      tpu.vector_store_idx %arg7[%add3A_139, %and3A_299, %add3A_47], %gather3A_313 : memref<2x32x512xf32, #tpu.memory_space<vmem>>[vector<16xi32>, vector<16xi32>, vector<16xi32>], vector<16xf32>,
      %gather3A_314 = tpu.vector_load_idx %arg6[%add3A_139, %add3A_50, %and3A_299] : memref<2x512x32xf32, #tpu.memory_space<vmem>>[vector<16xi32>, vector<16xi32>, vector<16xi32>], vector<16xf32>,
      tpu.vector_store_idx %arg7[%add3A_139, %and3A_299, %add3A_50], %gather3A_314 : memref<2x32x512xf32, #tpu.memory_space<vmem>>[vector<16xi32>, vector<16xi32>, vector<16xi32>], vector<16xf32>,
      %gather3A_315 = tpu.vector_load_idx %arg6[%add3A_139, %add3A_53, %and3A_299] : memref<2x512x32xf32, #tpu.memory_space<vmem>>[vector<16xi32>, vector<16xi32>, vector<16xi32>], vector<16xf32>,
      tpu.vector_store_idx %arg7[%add3A_139, %and3A_299, %add3A_53], %gather3A_315 : memref<2x32x512xf32, #tpu.memory_space<vmem>>[vector<16xi32>, vector<16xi32>, vector<16xi32>], vector<16xf32>,
      %gather3A_316 = tpu.vector_load_idx %arg6[%add3A_139, %add3A_56, %and3A_299] : memref<2x512x32xf32, #tpu.memory_space<vmem>>[vector<16xi32>, vector<16xi32>, vector<16xi32>], vector<16xf32>,
      tpu.vector_store_idx %arg7[%add3A_139, %and3A_299, %add3A_56], %gather3A_316 : memref<2x32x512xf32, #tpu.memory_space<vmem>>[vector<16xi32>, vector<16xi32>, vector<16xi32>], vector<16xf32>,
      %gather3A_317 = tpu.vector_load_idx %arg6[%add3A_139, %add3A_59, %and3A_299] : memref<2x512x32xf32, #tpu.memory_space<vmem>>[vector<16xi32>, vector<16xi32>, vector<16xi32>], vector<16xf32>,
      tpu.vector_store_idx %arg7[%add3A_139, %and3A_299, %add3A_59], %gather3A_317 : memref<2x32x512xf32, #tpu.memory_space<vmem>>[vector<16xi32>, vector<16xi32>, vector<16xi32>], vector<16xf32>,
      %gather3A_318 = tpu.vector_load_idx %arg6[%add3A_139, %add3A_62, %and3A_299] : memref<2x512x32xf32, #tpu.memory_space<vmem>>[vector<16xi32>, vector<16xi32>, vector<16xi32>], vector<16xf32>,
      tpu.vector_store_idx %arg7[%add3A_139, %and3A_299, %add3A_62], %gather3A_318 : memref<2x32x512xf32, #tpu.memory_space<vmem>>[vector<16xi32>, vector<16xi32>, vector<16xi32>], vector<16xf32>,
      %gather3A_319 = tpu.vector_load_idx %arg6[%add3A_139, %add3A_65, %and3A_299] : memref<2x512x32xf32, #tpu.memory_space<vmem>>[vector<16xi32>, vector<16xi32>, vector<16xi32>], vector<16xf32>,
      tpu.vector_store_idx %arg7[%add3A_139, %and3A_299, %add3A_65], %gather3A_319 : memref<2x32x512xf32, #tpu.memory_space<vmem>>[vector<16xi32>, vector<16xi32>, vector<16xi32>], vector<16xf32>,
      %gather3A_320 = tpu.vector_load_idx %arg6[%add3A_139, %add3A_68, %and3A_299] : memref<2x512x32xf32, #tpu.memory_space<vmem>>[vector<16xi32>, vector<16xi32>, vector<16xi32>], vector<16xf32>,
      tpu.vector_store_idx %arg7[%add3A_139, %and3A_299, %add3A_68], %gather3A_320 : memref<2x32x512xf32, #tpu.memory_space<vmem>>[vector<16xi32>, vector<16xi32>, vector<16xi32>], vector<16xf32>,
      %gather3A_321 = tpu.vector_load_idx %arg6[%add3A_139, %add3A_71, %and3A_299] : memref<2x512x32xf32, #tpu.memory_space<vmem>>[vector<16xi32>, vector<16xi32>, vector<16xi32>], vector<16xf32>,
      tpu.vector_store_idx %arg7[%add3A_139, %and3A_299, %add3A_71], %gather3A_321 : memref<2x32x512xf32, #tpu.memory_space<vmem>>[vector<16xi32>, vector<16xi32>, vector<16xi32>], vector<16xf32>,
      %gather3A_322 = tpu.vector_load_idx %arg6[%add3A_139, %add3A_74, %and3A_299] : memref<2x512x32xf32, #tpu.memory_space<vmem>>[vector<16xi32>, vector<16xi32>, vector<16xi32>], vector<16xf32>,
      tpu.vector_store_idx %arg7[%add3A_139, %and3A_299, %add3A_74], %gather3A_322 : memref<2x32x512xf32, #tpu.memory_space<vmem>>[vector<16xi32>, vector<16xi32>, vector<16xi32>], vector<16xf32>,
      %gather3A_323 = tpu.vector_load_idx %arg6[%add3A_139, %add3A_77, %and3A_299] : memref<2x512x32xf32, #tpu.memory_space<vmem>>[vector<16xi32>, vector<16xi32>, vector<16xi32>], vector<16xf32>,
      tpu.vector_store_idx %arg7[%add3A_139, %and3A_299, %add3A_77], %gather3A_323 : memref<2x32x512xf32, #tpu.memory_space<vmem>>[vector<16xi32>, vector<16xi32>, vector<16xi32>], vector<16xf32>,
      %gather3A_324 = tpu.vector_load_idx %arg6[%add3A_139, %add3A_80, %and3A_299] : memref<2x512x32xf32, #tpu.memory_space<vmem>>[vector<16xi32>, vector<16xi32>, vector<16xi32>], vector<16xf32>,
      tpu.vector_store_idx %arg7[%add3A_139, %and3A_299, %add3A_80], %gather3A_324 : memref<2x32x512xf32, #tpu.memory_space<vmem>>[vector<16xi32>, vector<16xi32>, vector<16xi32>], vector<16xf32>,
      %gather3A_325 = tpu.vector_load_idx %arg6[%add3A_139, %add3A_83, %and3A_299] : memref<2x512x32xf32, #tpu.memory_space<vmem>>[vector<16xi32>, vector<16xi32>, vector<16xi32>], vector<16xf32>,
      tpu.vector_store_idx %arg7[%add3A_139, %and3A_299, %add3A_83], %gather3A_325 : memref<2x32x512xf32, #tpu.memory_space<vmem>>[vector<16xi32>, vector<16xi32>, vector<16xi32>], vector<16xf32>,
      %gather3A_326 = tpu.vector_load_idx %arg6[%add3A_139, %add3A_86, %and3A_299] : memref<2x512x32xf32, #tpu.memory_space<vmem>>[vector<16xi32>, vector<16xi32>, vector<16xi32>], vector<16xf32>,
      tpu.vector_store_idx %arg7[%add3A_139, %and3A_299, %add3A_86], %gather3A_326 : memref<2x32x512xf32, #tpu.memory_space<vmem>>[vector<16xi32>, vector<16xi32>, vector<16xi32>], vector<16xf32>,
      %gather3A_327 = tpu.vector_load_idx %arg6[%add3A_139, %add3A_89, %and3A_299] : memref<2x512x32xf32, #tpu.memory_space<vmem>>[vector<16xi32>, vector<16xi32>, vector<16xi32>], vector<16xf32>,
      tpu.vector_store_idx %arg7[%add3A_139, %and3A_299, %add3A_89], %gather3A_327 : memref<2x32x512xf32, #tpu.memory_space<vmem>>[vector<16xi32>, vector<16xi32>, vector<16xi32>], vector<16xf32>,
      %gather3A_328 = tpu.vector_load_idx %arg6[%add3A_139, %add3A_92, %and3A_299] : memref<2x512x32xf32, #tpu.memory_space<vmem>>[vector<16xi32>, vector<16xi32>, vector<16xi32>], vector<16xf32>,
      tpu.vector_store_idx %arg7[%add3A_139, %and3A_299, %add3A_92], %gather3A_328 : memref<2x32x512xf32, #tpu.memory_space<vmem>>[vector<16xi32>, vector<16xi32>, vector<16xi32>], vector<16xf32>,
      %gather3A_329 = tpu.vector_load_idx %arg6[%add3A_139, %add3A_95, %and3A_299] : memref<2x512x32xf32, #tpu.memory_space<vmem>>[vector<16xi32>, vector<16xi32>, vector<16xi32>], vector<16xf32>,
      tpu.vector_store_idx %arg7[%add3A_139, %and3A_299, %add3A_95], %gather3A_329 : memref<2x32x512xf32, #tpu.memory_space<vmem>>[vector<16xi32>, vector<16xi32>, vector<16xi32>], vector<16xf32>,
      %gather3A_330 = tpu.vector_load_idx %arg6[%add3A_139, %add3A_98, %and3A_299] : memref<2x512x32xf32, #tpu.memory_space<vmem>>[vector<16xi32>, vector<16xi32>, vector<16xi32>], vector<16xf32>,
      tpu.vector_store_idx %arg7[%add3A_139, %and3A_299, %add3A_98], %gather3A_330 : memref<2x32x512xf32, #tpu.memory_space<vmem>>[vector<16xi32>, vector<16xi32>, vector<16xi32>], vector<16xf32>,
    }
    %scan3A_144 = arith.constant 32 : i32
    %dma_start3A_145 = arith.constant 0 : i32
    %dma_start3A_146 = arith.constant 0 : i32
    %dma_start3A_147 = arith.constant 0 : i32
    %dma_start3A_148 = arith.constant 0 : i32
    %dma_start3A_149 = tpu.memref_slice %arg7[%dma_start3A_145, %dma_start3A_147, %dma_start3A_148] : memref<2x32x512xf32, #tpu.memory_space<vmem>> -> memref<1x32x512xf32, #tpu.memory_space<vmem>>
    %dma_start3A_150 = tpu.memref_squeeze %dma_start3A_149 : memref<1x32x512xf32, #tpu.memory_space<vmem>> -> memref<32x512xf32, #tpu.memory_space<vmem>>
    %dma_start3A_151 = arith.constant 0 : i32
    %dma_start3A_152 = tpu.memref_slice %arg4[%dma_start3A_146, %dma_start3A_151, %mul3A_2] : memref<50x32x16384xf32, #tpu.memory_space<hbm>> -> memref<1x32x512xf32, #tpu.memory_space<hbm>>
    %dma_start3A_153 = tpu.memref_squeeze %dma_start3A_152 : memref<1x32x512xf32, #tpu.memory_space<hbm>> -> memref<32x512xf32, #tpu.memory_space<hbm>>
    %dma_start3A_154 = arith.constant 0 : i32
    %dma_start3A_155 = tpu.memref_slice %arg4[%dma_start3A_146, %dma_start3A_154, %mul3A_2] : memref<50x32x16384xf32, #tpu.memory_space<hbm>> -> memref<1x32x512xf32, #tpu.memory_space<hbm>>
    %dma_start3A_156 = tpu.memref_squeeze %dma_start3A_155 : memref<1x32x512xf32, #tpu.memory_space<hbm>> -> memref<32x512xf32, #tpu.memory_space<hbm>>
    %dma_start3A_157 = arith.constant 0 : i32
    %dma_start3A_158 = arith.constant 0 : i32
    %dma_start3A_159 = tpu.memref_slice %arg7[%dma_start3A_145, %dma_start3A_157, %dma_start3A_158] : memref<2x32x512xf32, #tpu.memory_space<vmem>> -> memref<1x32x512xf32, #tpu.memory_space<vmem>>
    %dma_start3A_160 = tpu.memref_squeeze %dma_start3A_159 : memref<1x32x512xf32, #tpu.memory_space<vmem>> -> memref<32x512xf32, #tpu.memory_space<vmem>>
    tpu.enqueue_dma source(%dma_start3A_160 : memref<32x512xf32, #tpu.memory_space<vmem>>) target(%dma_start3A_156 : memref<32x512xf32, #tpu.memory_space<hbm>>) target_semaphore(%arg9 : memref<!tpu.dma_semaphore, #tpu.memory_space<semaphore_mem>>)
    %dma_start3A_161 = arith.constant 2 : i32
    %dma_start3A_162 = arith.constant 0 : i32
    %dma_start3A_163 = arith.constant 0 : i32
    %dma_start3A_164 = arith.constant 0 : i32
    %dma_start3A_165 = tpu.memref_slice %arg6[%dma_start3A_162, %dma_start3A_163, %dma_start3A_164] : memref<2x512x32xf32, #tpu.memory_space<vmem>> -> memref<1x512x32xf32, #tpu.memory_space<vmem>>
    %dma_start3A_166 = tpu.memref_squeeze %dma_start3A_165 : memref<1x512x32xf32, #tpu.memory_space<vmem>> -> memref<512x32xf32, #tpu.memory_space<vmem>>
    %dma_start3A_167 = arith.constant 0 : i32
    %dma_start3A_168 = tpu.memref_slice %arg5[%dma_start3A_161, %dma_start3A_167] : memref<50x512xi32, #tpu.memory_space<vmem>> -> memref<1x512xi32, #tpu.memory_space<vmem>>
    %dma_start3A_169 = tpu.memref_squeeze %dma_start3A_168 : memref<1x512xi32, #tpu.memory_space<vmem>> -> memref<512xi32, #tpu.memory_space<vmem>>
    %dma_start3A_170 = arith.constant 0 : i32
    %dma_start3A_171 = arith.constant 0 : i32
    %dma_start3A_172 = tpu.memref_slice %arg3[%dma_start3A_170, %dma_start3A_171] : memref<1000000x32xf32, #tpu.memory_space<hbm>> -> memref<1000000x32xf32, #tpu.memory_space<hbm>>
    tpu.enqueue_indirect_dma source(%dma_start3A_172 : memref<1000000x32xf32, #tpu.memory_space<hbm>>) target(%dma_start3A_166 : memref<512x32xf32, #tpu.memory_space<vmem>>) offsets(%dma_start3A_169 : memref<512xi32, #tpu.memory_space<vmem>>) semaphore(%arg8 : memref<!tpu.dma_semaphore, #tpu.memory_space<semaphore_mem>>)
    %dma_wait3A_173 = arith.constant 0 : i32
    %dma_wait3A_174 = arith.constant 0 : i32
    %dma_wait3A_175 = arith.constant 0 : i32
    %dma_wait3A_176 = tpu.memref_slice %arg6[%dma_wait3A_173, %dma_wait3A_174, %dma_wait3A_175] : memref<2x512x32xf32, #tpu.memory_space<vmem>> -> memref<1x512x32xf32, #tpu.memory_space<vmem>>
    %dma_wait3A_177 = tpu.memref_squeeze %dma_wait3A_176 : memref<1x512x32xf32, #tpu.memory_space<vmem>> -> memref<512x32xf32, #tpu.memory_space<vmem>>
    %dma_wait3A_178 = arith.constant 0 : i32
    %dma_wait3A_179 = arith.constant 0 : i32
    %dma_wait3A_180 = tpu.memref_slice %arg3[%dma_wait3A_178, %dma_wait3A_179] : memref<1000000x32xf32, #tpu.memory_space<hbm>> -> memref<512x32xf32, #tpu.memory_space<hbm>>
    %dma_wait3A_181 = arith.constant 0 : i32
    %dma_wait3A_182 = arith.constant 0 : i32
    %dma_wait3A_183 = tpu.memref_slice %arg6[%dma_wait3A_173, %dma_wait3A_181, %dma_wait3A_182] : memref<2x512x32xf32, #tpu.memory_space<vmem>> -> memref<1x512x32xf32, #tpu.memory_space<vmem>>
    %dma_wait3A_184 = tpu.memref_squeeze %dma_wait3A_183 : memref<1x512x32xf32, #tpu.memory_space<vmem>> -> memref<512x32xf32, #tpu.memory_space<vmem>>
    %dma_wait3A_185 = arith.constant 0 : i32
    %dma_wait3A_186 = arith.constant 0 : i32
    %dma_wait3A_187 = tpu.memref_slice %arg3[%dma_wait3A_185, %dma_wait3A_186] : memref<1000000x32xf32, #tpu.memory_space<hbm>> -> memref<512x32xf32, #tpu.memory_space<hbm>>
    tpu.wait_dma2 semaphore(%arg8 : memref<!tpu.dma_semaphore, #tpu.memory_space<semaphore_mem>>) src(%dma_wait3A_187 : memref<512x32xf32, #tpu.memory_space<hbm>>) dst(%dma_wait3A_184 : memref<512x32xf32, #tpu.memory_space<vmem>>)
    %broadcast_in_dim3A_188 = arith.constant 0 : i32
    %broadcast_in_dim3A_189 = vector.broadcast %broadcast_in_dim3A_188 : i32 to vector<16xi32>
    %add3A_190 = arith.constant 1 : i32
    %add3A_191 = vector.broadcast %add3A_190 : i32 to vector<16xi32>
    %add3A_192 = arith.addi %broadcast_in_dim3A_189, %add3A_191 : vector<16xi32>
    %scan3A_193 = arith.constant 0 : i32
    %scan3A_194 = arith.constant 0 : i32
    %scan3A_195 = arith.constant 32 : i32
    %scan3A_196 = arith.addi %scan3A_194, %scan3A_195 : i32
    %scan3A_197 = arith.constant 1 : i32
    scf.for %scan3A_295 = %scan3A_194 to %scan3A_196 step %scan3A_197  : i32 {
      %add3A_296 = vector.broadcast %scan3A_295 : i32 to vector<16xi32>
      %add3A_297 = arith.addi %iota3A, %add3A_296 : vector<16xi32>
      %and3A = arith.constant 31 : i32
      %and3A_298 = vector.broadcast %and3A : i32 to vector<16xi32>
      %and3A_299 = arith.andi %add3A_297, %and3A_298 : vector<16xi32>
      %gather3A = tpu.vector_load_idx %arg6[%add3A_192, %add3A_5, %and3A_299] : memref<2x512x32xf32, #tpu.memory_space<vmem>>[vector<16xi32>, vector<16xi32>, vector<16xi32>], vector<16xf32>,
      tpu.vector_store_idx %arg7[%add3A_192, %and3A_299, %add3A_5], %gather3A : memref<2x32x512xf32, #tpu.memory_space<vmem>>[vector<16xi32>, vector<16xi32>, vector<16xi32>], vector<16xf32>,
      %gather3A_300 = tpu.vector_load_idx %arg6[%add3A_192, %add3A_8, %and3A_299] : memref<2x512x32xf32, #tpu.memory_space<vmem>>[vector<16xi32>, vector<16xi32>, vector<16xi32>], vector<16xf32>,
      tpu.vector_store_idx %arg7[%add3A_192, %and3A_299, %add3A_8], %gather3A_300 : memref<2x32x512xf32, #tpu.memory_space<vmem>>[vector<16xi32>, vector<16xi32>, vector<16xi32>], vector<16xf32>,
      %gather3A_301 = tpu.vector_load_idx %arg6[%add3A_192, %add3A_11, %and3A_299] : memref<2x512x32xf32, #tpu.memory_space<vmem>>[vector<16xi32>, vector<16xi32>, vector<16xi32>], vector<16xf32>,
      tpu.vector_store_idx %arg7[%add3A_192, %and3A_299, %add3A_11], %gather3A_301 : memref<2x32x512xf32, #tpu.memory_space<vmem>>[vector<16xi32>, vector<16xi32>, vector<16xi32>], vector<16xf32>,
      %gather3A_302 = tpu.vector_load_idx %arg6[%add3A_192, %add3A_14, %and3A_299] : memref<2x512x32xf32, #tpu.memory_space<vmem>>[vector<16xi32>, vector<16xi32>, vector<16xi32>], vector<16xf32>,
      tpu.vector_store_idx %arg7[%add3A_192, %and3A_299, %add3A_14], %gather3A_302 : memref<2x32x512xf32, #tpu.memory_space<vmem>>[vector<16xi32>, vector<16xi32>, vector<16xi32>], vector<16xf32>,
      %gather3A_303 = tpu.vector_load_idx %arg6[%add3A_192, %add3A_17, %and3A_299] : memref<2x512x32xf32, #tpu.memory_space<vmem>>[vector<16xi32>, vector<16xi32>, vector<16xi32>], vector<16xf32>,
      tpu.vector_store_idx %arg7[%add3A_192, %and3A_299, %add3A_17], %gather3A_303 : memref<2x32x512xf32, #tpu.memory_space<vmem>>[vector<16xi32>, vector<16xi32>, vector<16xi32>], vector<16xf32>,
      %gather3A_304 = tpu.vector_load_idx %arg6[%add3A_192, %add3A_20, %and3A_299] : memref<2x512x32xf32, #tpu.memory_space<vmem>>[vector<16xi32>, vector<16xi32>, vector<16xi32>], vector<16xf32>,
      tpu.vector_store_idx %arg7[%add3A_192, %and3A_299, %add3A_20], %gather3A_304 : memref<2x32x512xf32, #tpu.memory_space<vmem>>[vector<16xi32>, vector<16xi32>, vector<16xi32>], vector<16xf32>,
      %gather3A_305 = tpu.vector_load_idx %arg6[%add3A_192, %add3A_23, %and3A_299] : memref<2x512x32xf32, #tpu.memory_space<vmem>>[vector<16xi32>, vector<16xi32>, vector<16xi32>], vector<16xf32>,
      tpu.vector_store_idx %arg7[%add3A_192, %and3A_299, %add3A_23], %gather3A_305 : memref<2x32x512xf32, #tpu.memory_space<vmem>>[vector<16xi32>, vector<16xi32>, vector<16xi32>], vector<16xf32>,
      %gather3A_306 = tpu.vector_load_idx %arg6[%add3A_192, %add3A_26, %and3A_299] : memref<2x512x32xf32, #tpu.memory_space<vmem>>[vector<16xi32>, vector<16xi32>, vector<16xi32>], vector<16xf32>,
      tpu.vector_store_idx %arg7[%add3A_192, %and3A_299, %add3A_26], %gather3A_306 : memref<2x32x512xf32, #tpu.memory_space<vmem>>[vector<16xi32>, vector<16xi32>, vector<16xi32>], vector<16xf32>,
      %gather3A_307 = tpu.vector_load_idx %arg6[%add3A_192, %add3A_29, %and3A_299] : memref<2x512x32xf32, #tpu.memory_space<vmem>>[vector<16xi32>, vector<16xi32>, vector<16xi32>], vector<16xf32>,
      tpu.vector_store_idx %arg7[%add3A_192, %and3A_299, %add3A_29], %gather3A_307 : memref<2x32x512xf32, #tpu.memory_space<vmem>>[vector<16xi32>, vector<16xi32>, vector<16xi32>], vector<16xf32>,
      %gather3A_308 = tpu.vector_load_idx %arg6[%add3A_192, %add3A_32, %and3A_299] : memref<2x512x32xf32, #tpu.memory_space<vmem>>[vector<16xi32>, vector<16xi32>, vector<16xi32>], vector<16xf32>,
      tpu.vector_store_idx %arg7[%add3A_192, %and3A_299, %add3A_32], %gather3A_308 : memref<2x32x512xf32, #tpu.memory_space<vmem>>[vector<16xi32>, vector<16xi32>, vector<16xi32>], vector<16xf32>,
      %gather3A_309 = tpu.vector_load_idx %arg6[%add3A_192, %add3A_35, %and3A_299] : memref<2x512x32xf32, #tpu.memory_space<vmem>>[vector<16xi32>, vector<16xi32>, vector<16xi32>], vector<16xf32>,
      tpu.vector_store_idx %arg7[%add3A_192, %and3A_299, %add3A_35], %gather3A_309 : memref<2x32x512xf32, #tpu.memory_space<vmem>>[vector<16xi32>, vector<16xi32>, vector<16xi32>], vector<16xf32>,
      %gather3A_310 = tpu.vector_load_idx %arg6[%add3A_192, %add3A_38, %and3A_299] : memref<2x512x32xf32, #tpu.memory_space<vmem>>[vector<16xi32>, vector<16xi32>, vector<16xi32>], vector<16xf32>,
      tpu.vector_store_idx %arg7[%add3A_192, %and3A_299, %add3A_38], %gather3A_310 : memref<2x32x512xf32, #tpu.memory_space<vmem>>[vector<16xi32>, vector<16xi32>, vector<16xi32>], vector<16xf32>,
      %gather3A_311 = tpu.vector_load_idx %arg6[%add3A_192, %add3A_41, %and3A_299] : memref<2x512x32xf32, #tpu.memory_space<vmem>>[vector<16xi32>, vector<16xi32>, vector<16xi32>], vector<16xf32>,
      tpu.vector_store_idx %arg7[%add3A_192, %and3A_299, %add3A_41], %gather3A_311 : memref<2x32x512xf32, #tpu.memory_space<vmem>>[vector<16xi32>, vector<16xi32>, vector<16xi32>], vector<16xf32>,
      %gather3A_312 = tpu.vector_load_idx %arg6[%add3A_192, %add3A_44, %and3A_299] : memref<2x512x32xf32, #tpu.memory_space<vmem>>[vector<16xi32>, vector<16xi32>, vector<16xi32>], vector<16xf32>,
      tpu.vector_store_idx %arg7[%add3A_192, %and3A_299, %add3A_44], %gather3A_312 : memref<2x32x512xf32, #tpu.memory_space<vmem>>[vector<16xi32>, vector<16xi32>, vector<16xi32>], vector<16xf32>,
      %gather3A_313 = tpu.vector_load_idx %arg6[%add3A_192, %add3A_47, %and3A_299] : memref<2x512x32xf32, #tpu.memory_space<vmem>>[vector<16xi32>, vector<16xi32>, vector<16xi32>], vector<16xf32>,
      tpu.vector_store_idx %arg7[%add3A_192, %and3A_299, %add3A_47], %gather3A_313 : memref<2x32x512xf32, #tpu.memory_space<vmem>>[vector<16xi32>, vector<16xi32>, vector<16xi32>], vector<16xf32>,
      %gather3A_314 = tpu.vector_load_idx %arg6[%add3A_192, %add3A_50, %and3A_299] : memref<2x512x32xf32, #tpu.memory_space<vmem>>[vector<16xi32>, vector<16xi32>, vector<16xi32>], vector<16xf32>,
      tpu.vector_store_idx %arg7[%add3A_192, %and3A_299, %add3A_50], %gather3A_314 : memref<2x32x512xf32, #tpu.memory_space<vmem>>[vector<16xi32>, vector<16xi32>, vector<16xi32>], vector<16xf32>,
      %gather3A_315 = tpu.vector_load_idx %arg6[%add3A_192, %add3A_53, %and3A_299] : memref<2x512x32xf32, #tpu.memory_space<vmem>>[vector<16xi32>, vector<16xi32>, vector<16xi32>], vector<16xf32>,
      tpu.vector_store_idx %arg7[%add3A_192, %and3A_299, %add3A_53], %gather3A_315 : memref<2x32x512xf32, #tpu.memory_space<vmem>>[vector<16xi32>, vector<16xi32>, vector<16xi32>], vector<16xf32>,
      %gather3A_316 = tpu.vector_load_idx %arg6[%add3A_192, %add3A_56, %and3A_299] : memref<2x512x32xf32, #tpu.memory_space<vmem>>[vector<16xi32>, vector<16xi32>, vector<16xi32>], vector<16xf32>,
      tpu.vector_store_idx %arg7[%add3A_192, %and3A_299, %add3A_56], %gather3A_316 : memref<2x32x512xf32, #tpu.memory_space<vmem>>[vector<16xi32>, vector<16xi32>, vector<16xi32>], vector<16xf32>,
      %gather3A_317 = tpu.vector_load_idx %arg6[%add3A_192, %add3A_59, %and3A_299] : memref<2x512x32xf32, #tpu.memory_space<vmem>>[vector<16xi32>, vector<16xi32>, vector<16xi32>], vector<16xf32>,
      tpu.vector_store_idx %arg7[%add3A_192, %and3A_299, %add3A_59], %gather3A_317 : memref<2x32x512xf32, #tpu.memory_space<vmem>>[vector<16xi32>, vector<16xi32>, vector<16xi32>], vector<16xf32>,
      %gather3A_318 = tpu.vector_load_idx %arg6[%add3A_192, %add3A_62, %and3A_299] : memref<2x512x32xf32, #tpu.memory_space<vmem>>[vector<16xi32>, vector<16xi32>, vector<16xi32>], vector<16xf32>,
      tpu.vector_store_idx %arg7[%add3A_192, %and3A_299, %add3A_62], %gather3A_318 : memref<2x32x512xf32, #tpu.memory_space<vmem>>[vector<16xi32>, vector<16xi32>, vector<16xi32>], vector<16xf32>,
      %gather3A_319 = tpu.vector_load_idx %arg6[%add3A_192, %add3A_65, %and3A_299] : memref<2x512x32xf32, #tpu.memory_space<vmem>>[vector<16xi32>, vector<16xi32>, vector<16xi32>], vector<16xf32>,
      tpu.vector_store_idx %arg7[%add3A_192, %and3A_299, %add3A_65], %gather3A_319 : memref<2x32x512xf32, #tpu.memory_space<vmem>>[vector<16xi32>, vector<16xi32>, vector<16xi32>], vector<16xf32>,
      %gather3A_320 = tpu.vector_load_idx %arg6[%add3A_192, %add3A_68, %and3A_299] : memref<2x512x32xf32, #tpu.memory_space<vmem>>[vector<16xi32>, vector<16xi32>, vector<16xi32>], vector<16xf32>,
      tpu.vector_store_idx %arg7[%add3A_192, %and3A_299, %add3A_68], %gather3A_320 : memref<2x32x512xf32, #tpu.memory_space<vmem>>[vector<16xi32>, vector<16xi32>, vector<16xi32>], vector<16xf32>,
      %gather3A_321 = tpu.vector_load_idx %arg6[%add3A_192, %add3A_71, %and3A_299] : memref<2x512x32xf32, #tpu.memory_space<vmem>>[vector<16xi32>, vector<16xi32>, vector<16xi32>], vector<16xf32>,
      tpu.vector_store_idx %arg7[%add3A_192, %and3A_299, %add3A_71], %gather3A_321 : memref<2x32x512xf32, #tpu.memory_space<vmem>>[vector<16xi32>, vector<16xi32>, vector<16xi32>], vector<16xf32>,
      %gather3A_322 = tpu.vector_load_idx %arg6[%add3A_192, %add3A_74, %and3A_299] : memref<2x512x32xf32, #tpu.memory_space<vmem>>[vector<16xi32>, vector<16xi32>, vector<16xi32>], vector<16xf32>,
      tpu.vector_store_idx %arg7[%add3A_192, %and3A_299, %add3A_74], %gather3A_322 : memref<2x32x512xf32, #tpu.memory_space<vmem>>[vector<16xi32>, vector<16xi32>, vector<16xi32>], vector<16xf32>,
      %gather3A_323 = tpu.vector_load_idx %arg6[%add3A_192, %add3A_77, %and3A_299] : memref<2x512x32xf32, #tpu.memory_space<vmem>>[vector<16xi32>, vector<16xi32>, vector<16xi32>], vector<16xf32>,
      tpu.vector_store_idx %arg7[%add3A_192, %and3A_299, %add3A_77], %gather3A_323 : memref<2x32x512xf32, #tpu.memory_space<vmem>>[vector<16xi32>, vector<16xi32>, vector<16xi32>], vector<16xf32>,
      %gather3A_324 = tpu.vector_load_idx %arg6[%add3A_192, %add3A_80, %and3A_299] : memref<2x512x32xf32, #tpu.memory_space<vmem>>[vector<16xi32>, vector<16xi32>, vector<16xi32>], vector<16xf32>,
      tpu.vector_store_idx %arg7[%add3A_192, %and3A_299, %add3A_80], %gather3A_324 : memref<2x32x512xf32, #tpu.memory_space<vmem>>[vector<16xi32>, vector<16xi32>, vector<16xi32>], vector<16xf32>,
      %gather3A_325 = tpu.vector_load_idx %arg6[%add3A_192, %add3A_83, %and3A_299] : memref<2x512x32xf32, #tpu.memory_space<vmem>>[vector<16xi32>, vector<16xi32>, vector<16xi32>], vector<16xf32>,
      tpu.vector_store_idx %arg7[%add3A_192, %and3A_299, %add3A_83], %gather3A_325 : memref<2x32x512xf32, #tpu.memory_space<vmem>>[vector<16xi32>, vector<16xi32>, vector<16xi32>], vector<16xf32>,
      %gather3A_326 = tpu.vector_load_idx %arg6[%add3A_192, %add3A_86, %and3A_299] : memref<2x512x32xf32, #tpu.memory_space<vmem>>[vector<16xi32>, vector<16xi32>, vector<16xi32>], vector<16xf32>,
      tpu.vector_store_idx %arg7[%add3A_192, %and3A_299, %add3A_86], %gather3A_326 : memref<2x32x512xf32, #tpu.memory_space<vmem>>[vector<16xi32>, vector<16xi32>, vector<16xi32>], vector<16xf32>,
      %gather3A_327 = tpu.vector_load_idx %arg6[%add3A_192, %add3A_89, %and3A_299] : memref<2x512x32xf32, #tpu.memory_space<vmem>>[vector<16xi32>, vector<16xi32>, vector<16xi32>], vector<16xf32>,
      tpu.vector_store_idx %arg7[%add3A_192, %and3A_299, %add3A_89], %gather3A_327 : memref<2x32x512xf32, #tpu.memory_space<vmem>>[vector<16xi32>, vector<16xi32>, vector<16xi32>], vector<16xf32>,
      %gather3A_328 = tpu.vector_load_idx %arg6[%add3A_192, %add3A_92, %and3A_299] : memref<2x512x32xf32, #tpu.memory_space<vmem>>[vector<16xi32>, vector<16xi32>, vector<16xi32>], vector<16xf32>,
      tpu.vector_store_idx %arg7[%add3A_192, %and3A_299, %add3A_92], %gather3A_328 : memref<2x32x512xf32, #tpu.memory_space<vmem>>[vector<16xi32>, vector<16xi32>, vector<16xi32>], vector<16xf32>,
      %gather3A_329 = tpu.vector_load_idx %arg6[%add3A_192, %add3A_95, %and3A_299] : memref<2x512x32xf32, #tpu.memory_space<vmem>>[vector<16xi32>, vector<16xi32>, vector<16xi32>], vector<16xf32>,
      tpu.vector_store_idx %arg7[%add3A_192, %and3A_299, %add3A_95], %gather3A_329 : memref<2x32x512xf32, #tpu.memory_space<vmem>>[vector<16xi32>, vector<16xi32>, vector<16xi32>], vector<16xf32>,
      %gather3A_330 = tpu.vector_load_idx %arg6[%add3A_192, %add3A_98, %and3A_299] : memref<2x512x32xf32, #tpu.memory_space<vmem>>[vector<16xi32>, vector<16xi32>, vector<16xi32>], vector<16xf32>,
      tpu.vector_store_idx %arg7[%add3A_192, %and3A_299, %add3A_98], %gather3A_330 : memref<2x32x512xf32, #tpu.memory_space<vmem>>[vector<16xi32>, vector<16xi32>, vector<16xi32>], vector<16xf32>,
    }
    %scan3A_198 = arith.constant 32 : i32
    %dma_start3A_199 = arith.constant 1 : i32
    %dma_start3A_200 = arith.constant 1 : i32
    %dma_start3A_201 = arith.constant 0 : i32
    %dma_start3A_202 = arith.constant 0 : i32
    %dma_start3A_203 = tpu.memref_slice %arg7[%dma_start3A_199, %dma_start3A_201, %dma_start3A_202] : memref<2x32x512xf32, #tpu.memory_space<vmem>> -> memref<1x32x512xf32, #tpu.memory_space<vmem>>
    %dma_start3A_204 = tpu.memref_squeeze %dma_start3A_203 : memref<1x32x512xf32, #tpu.memory_space<vmem>> -> memref<32x512xf32, #tpu.memory_space<vmem>>
    %dma_start3A_205 = arith.constant 0 : i32
    %dma_start3A_206 = tpu.memref_slice %arg4[%dma_start3A_200, %dma_start3A_205, %mul3A_2] : memref<50x32x16384xf32, #tpu.memory_space<hbm>> -> memref<1x32x512xf32, #tpu.memory_space<hbm>>
    %dma_start3A_207 = tpu.memref_squeeze %dma_start3A_206 : memref<1x32x512xf32, #tpu.memory_space<hbm>> -> memref<32x512xf32, #tpu.memory_space<hbm>>
    %dma_start3A_208 = arith.constant 0 : i32
    %dma_start3A_209 = tpu.memref_slice %arg4[%dma_start3A_200, %dma_start3A_208, %mul3A_2] : memref<50x32x16384xf32, #tpu.memory_space<hbm>> -> memref<1x32x512xf32, #tpu.memory_space<hbm>>
    %dma_start3A_210 = tpu.memref_squeeze %dma_start3A_209 : memref<1x32x512xf32, #tpu.memory_space<hbm>> -> memref<32x512xf32, #tpu.memory_space<hbm>>
    %dma_start3A_211 = arith.constant 0 : i32
    %dma_start3A_212 = arith.constant 0 : i32
    %dma_start3A_213 = tpu.memref_slice %arg7[%dma_start3A_199, %dma_start3A_211, %dma_start3A_212] : memref<2x32x512xf32, #tpu.memory_space<vmem>> -> memref<1x32x512xf32, #tpu.memory_space<vmem>>
    %dma_start3A_214 = tpu.memref_squeeze %dma_start3A_213 : memref<1x32x512xf32, #tpu.memory_space<vmem>> -> memref<32x512xf32, #tpu.memory_space<vmem>>
    tpu.enqueue_dma source(%dma_start3A_214 : memref<32x512xf32, #tpu.memory_space<vmem>>) target(%dma_start3A_210 : memref<32x512xf32, #tpu.memory_space<hbm>>) target_semaphore(%arg9 : memref<!tpu.dma_semaphore, #tpu.memory_space<semaphore_mem>>)
    %dma_start3A_215 = arith.constant 3 : i32
    %dma_start3A_216 = arith.constant 1 : i32
    %dma_start3A_217 = arith.constant 0 : i32
    %dma_start3A_218 = arith.constant 0 : i32
    %dma_start3A_219 = tpu.memref_slice %arg6[%dma_start3A_216, %dma_start3A_217, %dma_start3A_218] : memref<2x512x32xf32, #tpu.memory_space<vmem>> -> memref<1x512x32xf32, #tpu.memory_space<vmem>>
    %dma_start3A_220 = tpu.memref_squeeze %dma_start3A_219 : memref<1x512x32xf32, #tpu.memory_space<vmem>> -> memref<512x32xf32, #tpu.memory_space<vmem>>
    %dma_start3A_221 = arith.constant 0 : i32
    %dma_start3A_222 = tpu.memref_slice %arg5[%dma_start3A_215, %dma_start3A_221] : memref<50x512xi32, #tpu.memory_space<vmem>> -> memref<1x512xi32, #tpu.memory_space<vmem>>
    %dma_start3A_223 = tpu.memref_squeeze %dma_start3A_222 : memref<1x512xi32, #tpu.memory_space<vmem>> -> memref<512xi32, #tpu.memory_space<vmem>>
    %dma_start3A_224 = arith.constant 0 : i32
    %dma_start3A_225 = arith.constant 0 : i32
    %dma_start3A_226 = tpu.memref_slice %arg3[%dma_start3A_224, %dma_start3A_225] : memref<1000000x32xf32, #tpu.memory_space<hbm>> -> memref<1000000x32xf32, #tpu.memory_space<hbm>>
    tpu.enqueue_indirect_dma source(%dma_start3A_226 : memref<1000000x32xf32, #tpu.memory_space<hbm>>) target(%dma_start3A_220 : memref<512x32xf32, #tpu.memory_space<vmem>>) offsets(%dma_start3A_223 : memref<512xi32, #tpu.memory_space<vmem>>) semaphore(%arg8 : memref<!tpu.dma_semaphore, #tpu.memory_space<semaphore_mem>>)
    %scan3A_227 = arith.constant 0 : i32
    %scan3A_228 = arith.constant 2 : i32
    %scan3A_229 = arith.constant 48 : i32
    %scan3A_230 = arith.addi %scan3A_228, %scan3A_229 : i32
    %scan3A_231 = arith.constant 1 : i32
    scf.for %scan3A_295 = %scan3A_228 to %scan3A_230 step %scan3A_231  : i32 {
      %jit3A = arith.constant 2 : i32
      %eq3A = arith.constant 0 : i32
      %eq3A_296 = arith.cmpi eq, %jit3A, %eq3A : i32
      %jit3A_297 = arith.constant 1 : i32
      %select_n3A = arith.select %eq3A_296, %jit3A_297, %jit3A : i32
      %rem3A = arith.remsi %scan3A_295, %select_n3A : i32
      %ne3A = arith.constant 0 : i32
      %ne3A_298 = arith.cmpi ne, %rem3A, %ne3A : i32
      %lt3A = arith.constant 0 : i32
      %lt3A_299 = arith.cmpi slt, %rem3A, %lt3A : i32
      %lt3A_300 = arith.constant 0 : i32
      %lt3A_301 = arith.cmpi slt, %select_n3A, %lt3A_300 : i32
      %ne3A_302 = arith.xori %lt3A_299, %lt3A_301 : i1
      %and3A = arith.andi %ne3A_302, %ne3A_298 : i1
      %add3A_303 = arith.addi %rem3A, %select_n3A : i32
      %select_n3A_304 = arith.select %and3A, %add3A_303, %rem3A : i32
      %dma_wait3A_305 = arith.constant 0 : i32
      %dma_wait3A_306 = arith.constant 0 : i32
      %dma_wait3A_307 = arith.constant 0 : i32
      %dma_wait3A_308 = tpu.memref_slice %arg6[%dma_wait3A_305, %dma_wait3A_306, %dma_wait3A_307] : memref<2x512x32xf32, #tpu.memory_space<vmem>> -> memref<1x512x32xf32, #tpu.memory_space<vmem>>
      %dma_wait3A_309 = tpu.memref_squeeze %dma_wait3A_308 : memref<1x512x32xf32, #tpu.memory_space<vmem>> -> memref<512x32xf32, #tpu.memory_space<vmem>>
      %dma_wait3A_310 = arith.constant 0 : i32
      %dma_wait3A_311 = arith.constant 0 : i32
      %dma_wait3A_312 = tpu.memref_slice %arg3[%dma_wait3A_310, %dma_wait3A_311] : memref<1000000x32xf32, #tpu.memory_space<hbm>> -> memref<512x32xf32, #tpu.memory_space<hbm>>
      %dma_wait3A_313 = arith.constant 0 : i32
      %dma_wait3A_314 = arith.constant 0 : i32
      %dma_wait3A_315 = tpu.memref_slice %arg6[%dma_wait3A_305, %dma_wait3A_313, %dma_wait3A_314] : memref<2x512x32xf32, #tpu.memory_space<vmem>> -> memref<1x512x32xf32, #tpu.memory_space<vmem>>
      %dma_wait3A_316 = tpu.memref_squeeze %dma_wait3A_315 : memref<1x512x32xf32, #tpu.memory_space<vmem>> -> memref<512x32xf32, #tpu.memory_space<vmem>>
      %dma_wait3A_317 = arith.constant 0 : i32
      %dma_wait3A_318 = arith.constant 0 : i32
      %dma_wait3A_319 = tpu.memref_slice %arg3[%dma_wait3A_317, %dma_wait3A_318] : memref<1000000x32xf32, #tpu.memory_space<hbm>> -> memref<512x32xf32, #tpu.memory_space<hbm>>
      tpu.wait_dma2 semaphore(%arg8 : memref<!tpu.dma_semaphore, #tpu.memory_space<semaphore_mem>>) src(%dma_wait3A_319 : memref<512x32xf32, #tpu.memory_space<hbm>>) dst(%dma_wait3A_316 : memref<512x32xf32, #tpu.memory_space<vmem>>)
      %dma_wait3A_320 = arith.constant 0 : i32
      %dma_wait3A_321 = arith.constant 0 : i32
      %dma_wait3A_322 = arith.constant 0 : i32
      %dma_wait3A_323 = arith.constant 0 : i32
      %dma_wait3A_324 = tpu.memref_slice %arg7[%dma_wait3A_320, %dma_wait3A_322, %dma_wait3A_323] : memref<2x32x512xf32, #tpu.memory_space<vmem>> -> memref<1x32x512xf32, #tpu.memory_space<vmem>>
      %dma_wait3A_325 = tpu.memref_squeeze %dma_wait3A_324 : memref<1x32x512xf32, #tpu.memory_space<vmem>> -> memref<32x512xf32, #tpu.memory_space<vmem>>
      %dma_wait3A_326 = arith.constant 0 : i32
      %dma_wait3A_327 = tpu.memref_slice %arg4[%dma_wait3A_321, %dma_wait3A_326, %mul3A_2] : memref<50x32x16384xf32, #tpu.memory_space<hbm>> -> memref<1x32x512xf32, #tpu.memory_space<hbm>>
      %dma_wait3A_328 = tpu.memref_squeeze %dma_wait3A_327 : memref<1x32x512xf32, #tpu.memory_space<hbm>> -> memref<32x512xf32, #tpu.memory_space<hbm>>
      %dma_wait3A_329 = arith.constant 0 : i32
      %dma_wait3A_330 = tpu.memref_slice %arg4[%dma_wait3A_321, %dma_wait3A_329, %mul3A_2] : memref<50x32x16384xf32, #tpu.memory_space<hbm>> -> memref<1x32x512xf32, #tpu.memory_space<hbm>>
      %dma_wait3A_331 = tpu.memref_squeeze %dma_wait3A_330 : memref<1x32x512xf32, #tpu.memory_space<hbm>> -> memref<32x512xf32, #tpu.memory_space<hbm>>
      %dma_wait3A_332 = arith.constant 0 : i32
      %dma_wait3A_333 = arith.constant 0 : i32
      %dma_wait3A_334 = tpu.memref_slice %arg7[%dma_wait3A_320, %dma_wait3A_332, %dma_wait3A_333] : memref<2x32x512xf32, #tpu.memory_space<vmem>> -> memref<1x32x512xf32, #tpu.memory_space<vmem>>
      %dma_wait3A_335 = tpu.memref_squeeze %dma_wait3A_334 : memref<1x32x512xf32, #tpu.memory_space<vmem>> -> memref<32x512xf32, #tpu.memory_space<vmem>>
      tpu.wait_dma2 semaphore(%arg9 : memref<!tpu.dma_semaphore, #tpu.memory_space<semaphore_mem>>) src(%dma_wait3A_335 : memref<32x512xf32, #tpu.memory_space<vmem>>) dst(%dma_wait3A_331 : memref<32x512xf32, #tpu.memory_space<hbm>>)
      %broadcast_in_dim3A_336 = arith.constant 0 : i32
      %broadcast_in_dim3A_337 = vector.broadcast %broadcast_in_dim3A_336 : i32 to vector<16xi32>
      %add3A_338 = vector.broadcast %select_n3A_304 : i32 to vector<16xi32>
      %add3A_339 = arith.addi %broadcast_in_dim3A_337, %add3A_338 : vector<16xi32>
      %scan3A_340 = arith.constant 0 : i32
      %scan3A_341 = arith.constant 0 : i32
      %scan3A_342 = arith.constant 32 : i32
      %scan3A_343 = arith.addi %scan3A_341, %scan3A_342 : i32
      %scan3A_344 = arith.constant 1 : i32
      scf.for %scan3A_373 = %scan3A_341 to %scan3A_343 step %scan3A_344  : i32 {
        %add3A_374 = vector.broadcast %scan3A_373 : i32 to vector<16xi32>
        %add3A_375 = arith.addi %iota3A, %add3A_374 : vector<16xi32>
        %and3A_376 = arith.constant 31 : i32
        %and3A_377 = vector.broadcast %and3A_376 : i32 to vector<16xi32>
        %and3A_378 = arith.andi %add3A_375, %and3A_377 : vector<16xi32>
        %gather3A = tpu.vector_load_idx %arg6[%add3A_339, %add3A_5, %and3A_378] : memref<2x512x32xf32, #tpu.memory_space<vmem>>[vector<16xi32>, vector<16xi32>, vector<16xi32>], vector<16xf32>,
        tpu.vector_store_idx %arg7[%add3A_339, %and3A_378, %add3A_5], %gather3A : memref<2x32x512xf32, #tpu.memory_space<vmem>>[vector<16xi32>, vector<16xi32>, vector<16xi32>], vector<16xf32>,
        %gather3A_379 = tpu.vector_load_idx %arg6[%add3A_339, %add3A_8, %and3A_378] : memref<2x512x32xf32, #tpu.memory_space<vmem>>[vector<16xi32>, vector<16xi32>, vector<16xi32>], vector<16xf32>,
        tpu.vector_store_idx %arg7[%add3A_339, %and3A_378, %add3A_8], %gather3A_379 : memref<2x32x512xf32, #tpu.memory_space<vmem>>[vector<16xi32>, vector<16xi32>, vector<16xi32>], vector<16xf32>,
        %gather3A_380 = tpu.vector_load_idx %arg6[%add3A_339, %add3A_11, %and3A_378] : memref<2x512x32xf32, #tpu.memory_space<vmem>>[vector<16xi32>, vector<16xi32>, vector<16xi32>], vector<16xf32>,
        tpu.vector_store_idx %arg7[%add3A_339, %and3A_378, %add3A_11], %gather3A_380 : memref<2x32x512xf32, #tpu.memory_space<vmem>>[vector<16xi32>, vector<16xi32>, vector<16xi32>], vector<16xf32>,
        %gather3A_381 = tpu.vector_load_idx %arg6[%add3A_339, %add3A_14, %and3A_378] : memref<2x512x32xf32, #tpu.memory_space<vmem>>[vector<16xi32>, vector<16xi32>, vector<16xi32>], vector<16xf32>,
        tpu.vector_store_idx %arg7[%add3A_339, %and3A_378, %add3A_14], %gather3A_381 : memref<2x32x512xf32, #tpu.memory_space<vmem>>[vector<16xi32>, vector<16xi32>, vector<16xi32>], vector<16xf32>,
        %gather3A_382 = tpu.vector_load_idx %arg6[%add3A_339, %add3A_17, %and3A_378] : memref<2x512x32xf32, #tpu.memory_space<vmem>>[vector<16xi32>, vector<16xi32>, vector<16xi32>], vector<16xf32>,
        tpu.vector_store_idx %arg7[%add3A_339, %and3A_378, %add3A_17], %gather3A_382 : memref<2x32x512xf32, #tpu.memory_space<vmem>>[vector<16xi32>, vector<16xi32>, vector<16xi32>], vector<16xf32>,
        %gather3A_383 = tpu.vector_load_idx %arg6[%add3A_339, %add3A_20, %and3A_378] : memref<2x512x32xf32, #tpu.memory_space<vmem>>[vector<16xi32>, vector<16xi32>, vector<16xi32>], vector<16xf32>,
        tpu.vector_store_idx %arg7[%add3A_339, %and3A_378, %add3A_20], %gather3A_383 : memref<2x32x512xf32, #tpu.memory_space<vmem>>[vector<16xi32>, vector<16xi32>, vector<16xi32>], vector<16xf32>,
        %gather3A_384 = tpu.vector_load_idx %arg6[%add3A_339, %add3A_23, %and3A_378] : memref<2x512x32xf32, #tpu.memory_space<vmem>>[vector<16xi32>, vector<16xi32>, vector<16xi32>], vector<16xf32>,
        tpu.vector_store_idx %arg7[%add3A_339, %and3A_378, %add3A_23], %gather3A_384 : memref<2x32x512xf32, #tpu.memory_space<vmem>>[vector<16xi32>, vector<16xi32>, vector<16xi32>], vector<16xf32>,
        %gather3A_385 = tpu.vector_load_idx %arg6[%add3A_339, %add3A_26, %and3A_378] : memref<2x512x32xf32, #tpu.memory_space<vmem>>[vector<16xi32>, vector<16xi32>, vector<16xi32>], vector<16xf32>,
        tpu.vector_store_idx %arg7[%add3A_339, %and3A_378, %add3A_26], %gather3A_385 : memref<2x32x512xf32, #tpu.memory_space<vmem>>[vector<16xi32>, vector<16xi32>, vector<16xi32>], vector<16xf32>,
        %gather3A_386 = tpu.vector_load_idx %arg6[%add3A_339, %add3A_29, %and3A_378] : memref<2x512x32xf32, #tpu.memory_space<vmem>>[vector<16xi32>, vector<16xi32>, vector<16xi32>], vector<16xf32>,
        tpu.vector_store_idx %arg7[%add3A_339, %and3A_378, %add3A_29], %gather3A_386 : memref<2x32x512xf32, #tpu.memory_space<vmem>>[vector<16xi32>, vector<16xi32>, vector<16xi32>], vector<16xf32>,
        %gather3A_387 = tpu.vector_load_idx %arg6[%add3A_339, %add3A_32, %and3A_378] : memref<2x512x32xf32, #tpu.memory_space<vmem>>[vector<16xi32>, vector<16xi32>, vector<16xi32>], vector<16xf32>,
        tpu.vector_store_idx %arg7[%add3A_339, %and3A_378, %add3A_32], %gather3A_387 : memref<2x32x512xf32, #tpu.memory_space<vmem>>[vector<16xi32>, vector<16xi32>, vector<16xi32>], vector<16xf32>,
        %gather3A_388 = tpu.vector_load_idx %arg6[%add3A_339, %add3A_35, %and3A_378] : memref<2x512x32xf32, #tpu.memory_space<vmem>>[vector<16xi32>, vector<16xi32>, vector<16xi32>], vector<16xf32>,
        tpu.vector_store_idx %arg7[%add3A_339, %and3A_378, %add3A_35], %gather3A_388 : memref<2x32x512xf32, #tpu.memory_space<vmem>>[vector<16xi32>, vector<16xi32>, vector<16xi32>], vector<16xf32>,
        %gather3A_389 = tpu.vector_load_idx %arg6[%add3A_339, %add3A_38, %and3A_378] : memref<2x512x32xf32, #tpu.memory_space<vmem>>[vector<16xi32>, vector<16xi32>, vector<16xi32>], vector<16xf32>,
        tpu.vector_store_idx %arg7[%add3A_339, %and3A_378, %add3A_38], %gather3A_389 : memref<2x32x512xf32, #tpu.memory_space<vmem>>[vector<16xi32>, vector<16xi32>, vector<16xi32>], vector<16xf32>,
        %gather3A_390 = tpu.vector_load_idx %arg6[%add3A_339, %add3A_41, %and3A_378] : memref<2x512x32xf32, #tpu.memory_space<vmem>>[vector<16xi32>, vector<16xi32>, vector<16xi32>], vector<16xf32>,
        tpu.vector_store_idx %arg7[%add3A_339, %and3A_378, %add3A_41], %gather3A_390 : memref<2x32x512xf32, #tpu.memory_space<vmem>>[vector<16xi32>, vector<16xi32>, vector<16xi32>], vector<16xf32>,
        %gather3A_391 = tpu.vector_load_idx %arg6[%add3A_339, %add3A_44, %and3A_378] : memref<2x512x32xf32, #tpu.memory_space<vmem>>[vector<16xi32>, vector<16xi32>, vector<16xi32>], vector<16xf32>,
        tpu.vector_store_idx %arg7[%add3A_339, %and3A_378, %add3A_44], %gather3A_391 : memref<2x32x512xf32, #tpu.memory_space<vmem>>[vector<16xi32>, vector<16xi32>, vector<16xi32>], vector<16xf32>,
        %gather3A_392 = tpu.vector_load_idx %arg6[%add3A_339, %add3A_47, %and3A_378] : memref<2x512x32xf32, #tpu.memory_space<vmem>>[vector<16xi32>, vector<16xi32>, vector<16xi32>], vector<16xf32>,
        tpu.vector_store_idx %arg7[%add3A_339, %and3A_378, %add3A_47], %gather3A_392 : memref<2x32x512xf32, #tpu.memory_space<vmem>>[vector<16xi32>, vector<16xi32>, vector<16xi32>], vector<16xf32>,
        %gather3A_393 = tpu.vector_load_idx %arg6[%add3A_339, %add3A_50, %and3A_378] : memref<2x512x32xf32, #tpu.memory_space<vmem>>[vector<16xi32>, vector<16xi32>, vector<16xi32>], vector<16xf32>,
        tpu.vector_store_idx %arg7[%add3A_339, %and3A_378, %add3A_50], %gather3A_393 : memref<2x32x512xf32, #tpu.memory_space<vmem>>[vector<16xi32>, vector<16xi32>, vector<16xi32>], vector<16xf32>,
        %gather3A_394 = tpu.vector_load_idx %arg6[%add3A_339, %add3A_53, %and3A_378] : memref<2x512x32xf32, #tpu.memory_space<vmem>>[vector<16xi32>, vector<16xi32>, vector<16xi32>], vector<16xf32>,
        tpu.vector_store_idx %arg7[%add3A_339, %and3A_378, %add3A_53], %gather3A_394 : memref<2x32x512xf32, #tpu.memory_space<vmem>>[vector<16xi32>, vector<16xi32>, vector<16xi32>], vector<16xf32>,
        %gather3A_395 = tpu.vector_load_idx %arg6[%add3A_339, %add3A_56, %and3A_378] : memref<2x512x32xf32, #tpu.memory_space<vmem>>[vector<16xi32>, vector<16xi32>, vector<16xi32>], vector<16xf32>,
        tpu.vector_store_idx %arg7[%add3A_339, %and3A_378, %add3A_56], %gather3A_395 : memref<2x32x512xf32, #tpu.memory_space<vmem>>[vector<16xi32>, vector<16xi32>, vector<16xi32>], vector<16xf32>,
        %gather3A_396 = tpu.vector_load_idx %arg6[%add3A_339, %add3A_59, %and3A_378] : memref<2x512x32xf32, #tpu.memory_space<vmem>>[vector<16xi32>, vector<16xi32>, vector<16xi32>], vector<16xf32>,
        tpu.vector_store_idx %arg7[%add3A_339, %and3A_378, %add3A_59], %gather3A_396 : memref<2x32x512xf32, #tpu.memory_space<vmem>>[vector<16xi32>, vector<16xi32>, vector<16xi32>], vector<16xf32>,
        %gather3A_397 = tpu.vector_load_idx %arg6[%add3A_339, %add3A_62, %and3A_378] : memref<2x512x32xf32, #tpu.memory_space<vmem>>[vector<16xi32>, vector<16xi32>, vector<16xi32>], vector<16xf32>,
        tpu.vector_store_idx %arg7[%add3A_339, %and3A_378, %add3A_62], %gather3A_397 : memref<2x32x512xf32, #tpu.memory_space<vmem>>[vector<16xi32>, vector<16xi32>, vector<16xi32>], vector<16xf32>,
        %gather3A_398 = tpu.vector_load_idx %arg6[%add3A_339, %add3A_65, %and3A_378] : memref<2x512x32xf32, #tpu.memory_space<vmem>>[vector<16xi32>, vector<16xi32>, vector<16xi32>], vector<16xf32>,
        tpu.vector_store_idx %arg7[%add3A_339, %and3A_378, %add3A_65], %gather3A_398 : memref<2x32x512xf32, #tpu.memory_space<vmem>>[vector<16xi32>, vector<16xi32>, vector<16xi32>], vector<16xf32>,
        %gather3A_399 = tpu.vector_load_idx %arg6[%add3A_339, %add3A_68, %and3A_378] : memref<2x512x32xf32, #tpu.memory_space<vmem>>[vector<16xi32>, vector<16xi32>, vector<16xi32>], vector<16xf32>,
        tpu.vector_store_idx %arg7[%add3A_339, %and3A_378, %add3A_68], %gather3A_399 : memref<2x32x512xf32, #tpu.memory_space<vmem>>[vector<16xi32>, vector<16xi32>, vector<16xi32>], vector<16xf32>,
        %gather3A_400 = tpu.vector_load_idx %arg6[%add3A_339, %add3A_71, %and3A_378] : memref<2x512x32xf32, #tpu.memory_space<vmem>>[vector<16xi32>, vector<16xi32>, vector<16xi32>], vector<16xf32>,
        tpu.vector_store_idx %arg7[%add3A_339, %and3A_378, %add3A_71], %gather3A_400 : memref<2x32x512xf32, #tpu.memory_space<vmem>>[vector<16xi32>, vector<16xi32>, vector<16xi32>], vector<16xf32>,
        %gather3A_401 = tpu.vector_load_idx %arg6[%add3A_339, %add3A_74, %and3A_378] : memref<2x512x32xf32, #tpu.memory_space<vmem>>[vector<16xi32>, vector<16xi32>, vector<16xi32>], vector<16xf32>,
        tpu.vector_store_idx %arg7[%add3A_339, %and3A_378, %add3A_74], %gather3A_401 : memref<2x32x512xf32, #tpu.memory_space<vmem>>[vector<16xi32>, vector<16xi32>, vector<16xi32>], vector<16xf32>,
        %gather3A_402 = tpu.vector_load_idx %arg6[%add3A_339, %add3A_77, %and3A_378] : memref<2x512x32xf32, #tpu.memory_space<vmem>>[vector<16xi32>, vector<16xi32>, vector<16xi32>], vector<16xf32>,
        tpu.vector_store_idx %arg7[%add3A_339, %and3A_378, %add3A_77], %gather3A_402 : memref<2x32x512xf32, #tpu.memory_space<vmem>>[vector<16xi32>, vector<16xi32>, vector<16xi32>], vector<16xf32>,
        %gather3A_403 = tpu.vector_load_idx %arg6[%add3A_339, %add3A_80, %and3A_378] : memref<2x512x32xf32, #tpu.memory_space<vmem>>[vector<16xi32>, vector<16xi32>, vector<16xi32>], vector<16xf32>,
        tpu.vector_store_idx %arg7[%add3A_339, %and3A_378, %add3A_80], %gather3A_403 : memref<2x32x512xf32, #tpu.memory_space<vmem>>[vector<16xi32>, vector<16xi32>, vector<16xi32>], vector<16xf32>,
        %gather3A_404 = tpu.vector_load_idx %arg6[%add3A_339, %add3A_83, %and3A_378] : memref<2x512x32xf32, #tpu.memory_space<vmem>>[vector<16xi32>, vector<16xi32>, vector<16xi32>], vector<16xf32>,
        tpu.vector_store_idx %arg7[%add3A_339, %and3A_378, %add3A_83], %gather3A_404 : memref<2x32x512xf32, #tpu.memory_space<vmem>>[vector<16xi32>, vector<16xi32>, vector<16xi32>], vector<16xf32>,
        %gather3A_405 = tpu.vector_load_idx %arg6[%add3A_339, %add3A_86, %and3A_378] : memref<2x512x32xf32, #tpu.memory_space<vmem>>[vector<16xi32>, vector<16xi32>, vector<16xi32>], vector<16xf32>,
        tpu.vector_store_idx %arg7[%add3A_339, %and3A_378, %add3A_86], %gather3A_405 : memref<2x32x512xf32, #tpu.memory_space<vmem>>[vector<16xi32>, vector<16xi32>, vector<16xi32>], vector<16xf32>,
        %gather3A_406 = tpu.vector_load_idx %arg6[%add3A_339, %add3A_89, %and3A_378] : memref<2x512x32xf32, #tpu.memory_space<vmem>>[vector<16xi32>, vector<16xi32>, vector<16xi32>], vector<16xf32>,
        tpu.vector_store_idx %arg7[%add3A_339, %and3A_378, %add3A_89], %gather3A_406 : memref<2x32x512xf32, #tpu.memory_space<vmem>>[vector<16xi32>, vector<16xi32>, vector<16xi32>], vector<16xf32>,
        %gather3A_407 = tpu.vector_load_idx %arg6[%add3A_339, %add3A_92, %and3A_378] : memref<2x512x32xf32, #tpu.memory_space<vmem>>[vector<16xi32>, vector<16xi32>, vector<16xi32>], vector<16xf32>,
        tpu.vector_store_idx %arg7[%add3A_339, %and3A_378, %add3A_92], %gather3A_407 : memref<2x32x512xf32, #tpu.memory_space<vmem>>[vector<16xi32>, vector<16xi32>, vector<16xi32>], vector<16xf32>,
        %gather3A_408 = tpu.vector_load_idx %arg6[%add3A_339, %add3A_95, %and3A_378] : memref<2x512x32xf32, #tpu.memory_space<vmem>>[vector<16xi32>, vector<16xi32>, vector<16xi32>], vector<16xf32>,
        tpu.vector_store_idx %arg7[%add3A_339, %and3A_378, %add3A_95], %gather3A_408 : memref<2x32x512xf32, #tpu.memory_space<vmem>>[vector<16xi32>, vector<16xi32>, vector<16xi32>], vector<16xf32>,
        %gather3A_409 = tpu.vector_load_idx %arg6[%add3A_339, %add3A_98, %and3A_378] : memref<2x512x32xf32, #tpu.memory_space<vmem>>[vector<16xi32>, vector<16xi32>, vector<16xi32>], vector<16xf32>,
        tpu.vector_store_idx %arg7[%add3A_339, %and3A_378, %add3A_98], %gather3A_409 : memref<2x32x512xf32, #tpu.memory_space<vmem>>[vector<16xi32>, vector<16xi32>, vector<16xi32>], vector<16xf32>,
      }
      %scan3A_345 = arith.constant 32 : i32
      %dma_start3A_346 = arith.constant 0 : i32
      %dma_start3A_347 = arith.constant 0 : i32
      %dma_start3A_348 = tpu.memref_slice %arg7[%select_n3A_304, %dma_start3A_346, %dma_start3A_347] : memref<2x32x512xf32, #tpu.memory_space<vmem>> -> memref<1x32x512xf32, #tpu.memory_space<vmem>>
      %dma_start3A_349 = tpu.memref_squeeze %dma_start3A_348 : memref<1x32x512xf32, #tpu.memory_space<vmem>> -> memref<32x512xf32, #tpu.memory_space<vmem>>
      %dma_start3A_350 = arith.constant 0 : i32
      %dma_start3A_351 = tpu.memref_slice %arg4[%scan3A_295, %dma_start3A_350, %mul3A_2] : memref<50x32x16384xf32, #tpu.memory_space<hbm>> -> memref<1x32x512xf32, #tpu.memory_space<hbm>>
      %dma_start3A_352 = tpu.memref_squeeze %dma_start3A_351 : memref<1x32x512xf32, #tpu.memory_space<hbm>> -> memref<32x512xf32, #tpu.memory_space<hbm>>
      %dma_start3A_353 = arith.constant 0 : i32
      %dma_start3A_354 = tpu.memref_slice %arg4[%scan3A_295, %dma_start3A_353, %mul3A_2] : memref<50x32x16384xf32, #tpu.memory_space<hbm>> -> memref<1x32x512xf32, #tpu.memory_space<hbm>>
      %dma_start3A_355 = tpu.memref_squeeze %dma_start3A_354 : memref<1x32x512xf32, #tpu.memory_space<hbm>> -> memref<32x512xf32, #tpu.memory_space<hbm>>
      %dma_start3A_356 = arith.constant 0 : i32
      %dma_start3A_357 = arith.constant 0 : i32
      %dma_start3A_358 = tpu.memref_slice %arg7[%select_n3A_304, %dma_start3A_356, %dma_start3A_357] : memref<2x32x512xf32, #tpu.memory_space<vmem>> -> memref<1x32x512xf32, #tpu.memory_space<vmem>>
      %dma_start3A_359 = tpu.memref_squeeze %dma_start3A_358 : memref<1x32x512xf32, #tpu.memory_space<vmem>> -> memref<32x512xf32, #tpu.memory_space<vmem>>
      tpu.enqueue_dma source(%dma_start3A_359 : memref<32x512xf32, #tpu.memory_space<vmem>>) target(%dma_start3A_355 : memref<32x512xf32, #tpu.memory_space<hbm>>) target_semaphore(%arg9 : memref<!tpu.dma_semaphore, #tpu.memory_space<semaphore_mem>>)
      %add3A_360 = arith.constant 2 : i32
      %add3A_361 = arith.addi %scan3A_295, %add3A_360 : i32
      %min3A = arith.constant 49 : i32
      %min3A_362 = arith.minsi %add3A_361, %min3A : i32
      %dma_start3A_363 = arith.constant 0 : i32
      %dma_start3A_364 = arith.constant 0 : i32
      %dma_start3A_365 = tpu.memref_slice %arg6[%select_n3A_304, %dma_start3A_363, %dma_start3A_364] : memref<2x512x32xf32, #tpu.memory_space<vmem>> -> memref<1x512x32xf32, #tpu.memory_space<vmem>>
      %dma_start3A_366 = tpu.memref_squeeze %dma_start3A_365 : memref<1x512x32xf32, #tpu.memory_space<vmem>> -> memref<512x32xf32, #tpu.memory_space<vmem>>
      %dma_start3A_367 = arith.constant 0 : i32
      %dma_start3A_368 = tpu.memref_slice %arg5[%min3A_362, %dma_start3A_367] : memref<50x512xi32, #tpu.memory_space<vmem>> -> memref<1x512xi32, #tpu.memory_space<vmem>>
      %dma_start3A_369 = tpu.memref_squeeze %dma_start3A_368 : memref<1x512xi32, #tpu.memory_space<vmem>> -> memref<512xi32, #tpu.memory_space<vmem>>
      %dma_start3A_370 = arith.constant 0 : i32
      %dma_start3A_371 = arith.constant 0 : i32
      %dma_start3A_372 = tpu.memref_slice %arg3[%dma_start3A_370, %dma_start3A_371] : memref<1000000x32xf32, #tpu.memory_space<hbm>> -> memref<1000000x32xf32, #tpu.memory_space<hbm>>
      tpu.enqueue_indirect_dma source(%dma_start3A_372 : memref<1000000x32xf32, #tpu.memory_space<hbm>>) target(%dma_start3A_366 : memref<512x32xf32, #tpu.memory_space<vmem>>) offsets(%dma_start3A_369 : memref<512xi32, #tpu.memory_space<vmem>>) semaphore(%arg8 : memref<!tpu.dma_semaphore, #tpu.memory_space<semaphore_mem>>)
    }
    %scan3A_232 = arith.constant 48 : i32
    %dma_wait3A_233 = arith.constant 0 : i32
    %dma_wait3A_234 = arith.constant 0 : i32
    %dma_wait3A_235 = arith.constant 0 : i32
    %dma_wait3A_236 = tpu.memref_slice %arg6[%dma_wait3A_233, %dma_wait3A_234, %dma_wait3A_235] : memref<2x512x32xf32, #tpu.memory_space<vmem>> -> memref<1x512x32xf32, #tpu.memory_space<vmem>>
    %dma_wait3A_237 = tpu.memref_squeeze %dma_wait3A_236 : memref<1x512x32xf32, #tpu.memory_space<vmem>> -> memref<512x32xf32, #tpu.memory_space<vmem>>
    %dma_wait3A_238 = arith.constant 0 : i32
    %dma_wait3A_239 = arith.constant 0 : i32
    %dma_wait3A_240 = tpu.memref_slice %arg3[%dma_wait3A_238, %dma_wait3A_239] : memref<1000000x32xf32, #tpu.memory_space<hbm>> -> memref<512x32xf32, #tpu.memory_space<hbm>>
    %dma_wait3A_241 = arith.constant 0 : i32
    %dma_wait3A_242 = arith.constant 0 : i32
    %dma_wait3A_243 = tpu.memref_slice %arg6[%dma_wait3A_233, %dma_wait3A_241, %dma_wait3A_242] : memref<2x512x32xf32, #tpu.memory_space<vmem>> -> memref<1x512x32xf32, #tpu.memory_space<vmem>>
    %dma_wait3A_244 = tpu.memref_squeeze %dma_wait3A_243 : memref<1x512x32xf32, #tpu.memory_space<vmem>> -> memref<512x32xf32, #tpu.memory_space<vmem>>
    %dma_wait3A_245 = arith.constant 0 : i32
    %dma_wait3A_246 = arith.constant 0 : i32
    %dma_wait3A_247 = tpu.memref_slice %arg3[%dma_wait3A_245, %dma_wait3A_246] : memref<1000000x32xf32, #tpu.memory_space<hbm>> -> memref<512x32xf32, #tpu.memory_space<hbm>>
    tpu.wait_dma2 semaphore(%arg8 : memref<!tpu.dma_semaphore, #tpu.memory_space<semaphore_mem>>) src(%dma_wait3A_247 : memref<512x32xf32, #tpu.memory_space<hbm>>) dst(%dma_wait3A_244 : memref<512x32xf32, #tpu.memory_space<vmem>>)
    %dma_wait3A_248 = arith.constant 0 : i32
    %dma_wait3A_249 = arith.constant 0 : i32
    %dma_wait3A_250 = arith.constant 0 : i32
    %dma_wait3A_251 = tpu.memref_slice %arg6[%dma_wait3A_248, %dma_wait3A_249, %dma_wait3A_250] : memref<2x512x32xf32, #tpu.memory_space<vmem>> -> memref<1x512x32xf32, #tpu.memory_space<vmem>>
    %dma_wait3A_252 = tpu.memref_squeeze %dma_wait3A_251 : memref<1x512x32xf32, #tpu.memory_space<vmem>> -> memref<512x32xf32, #tpu.memory_space<vmem>>
    %dma_wait3A_253 = arith.constant 0 : i32
    %dma_wait3A_254 = arith.constant 0 : i32
    %dma_wait3A_255 = tpu.memref_slice %arg3[%dma_wait3A_253, %dma_wait3A_254] : memref<1000000x32xf32, #tpu.memory_space<hbm>> -> memref<512x32xf32, #tpu.memory_space<hbm>>
    %dma_wait3A_256 = arith.constant 0 : i32
    %dma_wait3A_257 = arith.constant 0 : i32
    %dma_wait3A_258 = tpu.memref_slice %arg6[%dma_wait3A_248, %dma_wait3A_256, %dma_wait3A_257] : memref<2x512x32xf32, #tpu.memory_space<vmem>> -> memref<1x512x32xf32, #tpu.memory_space<vmem>>
    %dma_wait3A_259 = tpu.memref_squeeze %dma_wait3A_258 : memref<1x512x32xf32, #tpu.memory_space<vmem>> -> memref<512x32xf32, #tpu.memory_space<vmem>>
    %dma_wait3A_260 = arith.constant 0 : i32
    %dma_wait3A_261 = arith.constant 0 : i32
    %dma_wait3A_262 = tpu.memref_slice %arg3[%dma_wait3A_260, %dma_wait3A_261] : memref<1000000x32xf32, #tpu.memory_space<hbm>> -> memref<512x32xf32, #tpu.memory_space<hbm>>
    tpu.wait_dma2 semaphore(%arg8 : memref<!tpu.dma_semaphore, #tpu.memory_space<semaphore_mem>>) src(%dma_wait3A_262 : memref<512x32xf32, #tpu.memory_space<hbm>>) dst(%dma_wait3A_259 : memref<512x32xf32, #tpu.memory_space<vmem>>)
    %dma_wait3A_263 = arith.constant 0 : i32
    %dma_wait3A_264 = arith.constant 0 : i32
    %dma_wait3A_265 = arith.constant 0 : i32
    %dma_wait3A_266 = arith.constant 0 : i32
    %dma_wait3A_267 = tpu.memref_slice %arg7[%dma_wait3A_263, %dma_wait3A_265, %dma_wait3A_266] : memref<2x32x512xf32, #tpu.memory_space<vmem>> -> memref<1x32x512xf32, #tpu.memory_space<vmem>>
    %dma_wait3A_268 = tpu.memref_squeeze %dma_wait3A_267 : memref<1x32x512xf32, #tpu.memory_space<vmem>> -> memref<32x512xf32, #tpu.memory_space<vmem>>
    %dma_wait3A_269 = arith.constant 0 : i32
    %dma_wait3A_270 = tpu.memref_slice %arg4[%dma_wait3A_264, %dma_wait3A_269, %mul3A_2] : memref<50x32x16384xf32, #tpu.memory_space<hbm>> -> memref<1x32x512xf32, #tpu.memory_space<hbm>>
    %dma_wait3A_271 = tpu.memref_squeeze %dma_wait3A_270 : memref<1x32x512xf32, #tpu.memory_space<hbm>> -> memref<32x512xf32, #tpu.memory_space<hbm>>
    %dma_wait3A_272 = arith.constant 0 : i32
    %dma_wait3A_273 = tpu.memref_slice %arg4[%dma_wait3A_264, %dma_wait3A_272, %mul3A_2] : memref<50x32x16384xf32, #tpu.memory_space<hbm>> -> memref<1x32x512xf32, #tpu.memory_space<hbm>>
    %dma_wait3A_274 = tpu.memref_squeeze %dma_wait3A_273 : memref<1x32x512xf32, #tpu.memory_space<hbm>> -> memref<32x512xf32, #tpu.memory_space<hbm>>
    %dma_wait3A_275 = arith.constant 0 : i32
    %dma_wait3A_276 = arith.constant 0 : i32
    %dma_wait3A_277 = tpu.memref_slice %arg7[%dma_wait3A_263, %dma_wait3A_275, %dma_wait3A_276] : memref<2x32x512xf32, #tpu.memory_space<vmem>> -> memref<1x32x512xf32, #tpu.memory_space<vmem>>
    %dma_wait3A_278 = tpu.memref_squeeze %dma_wait3A_277 : memref<1x32x512xf32, #tpu.memory_space<vmem>> -> memref<32x512xf32, #tpu.memory_space<vmem>>
    tpu.wait_dma2 semaphore(%arg9 : memref<!tpu.dma_semaphore, #tpu.memory_space<semaphore_mem>>) src(%dma_wait3A_278 : memref<32x512xf32, #tpu.memory_space<vmem>>) dst(%dma_wait3A_274 : memref<32x512xf32, #tpu.memory_space<hbm>>)
    %dma_wait3A_279 = arith.constant 0 : i32
    %dma_wait3A_280 = arith.constant 0 : i32
    %dma_wait3A_281 = arith.constant 0 : i32
    %dma_wait3A_282 = arith.constant 0 : i32
    %dma_wait3A_283 = tpu.memref_slice %arg7[%dma_wait3A_279, %dma_wait3A_281, %dma_wait3A_282] : memref<2x32x512xf32, #tpu.memory_space<vmem>> -> memref<1x32x512xf32, #tpu.memory_space<vmem>>
    %dma_wait3A_284 = tpu.memref_squeeze %dma_wait3A_283 : memref<1x32x512xf32, #tpu.memory_space<vmem>> -> memref<32x512xf32, #tpu.memory_space<vmem>>
    %dma_wait3A_285 = arith.constant 0 : i32
    %dma_wait3A_286 = tpu.memref_slice %arg4[%dma_wait3A_280, %dma_wait3A_285, %mul3A_2] : memref<50x32x16384xf32, #tpu.memory_space<hbm>> -> memref<1x32x512xf32, #tpu.memory_space<hbm>>
    %dma_wait3A_287 = tpu.memref_squeeze %dma_wait3A_286 : memref<1x32x512xf32, #tpu.memory_space<hbm>> -> memref<32x512xf32, #tpu.memory_space<hbm>>
    %dma_wait3A_288 = arith.constant 0 : i32
    %dma_wait3A_289 = tpu.memref_slice %arg4[%dma_wait3A_280, %dma_wait3A_288, %mul3A_2] : memref<50x32x16384xf32, #tpu.memory_space<hbm>> -> memref<1x32x512xf32, #tpu.memory_space<hbm>>
    %dma_wait3A_290 = tpu.memref_squeeze %dma_wait3A_289 : memref<1x32x512xf32, #tpu.memory_space<hbm>> -> memref<32x512xf32, #tpu.memory_space<hbm>>
    %dma_wait3A_291 = arith.constant 0 : i32
    %dma_wait3A_292 = arith.constant 0 : i32
    %dma_wait3A_293 = tpu.memref_slice %arg7[%dma_wait3A_279, %dma_wait3A_291, %dma_wait3A_292] : memref<2x32x512xf32, #tpu.memory_space<vmem>> -> memref<1x32x512xf32, #tpu.memory_space<vmem>>
    %dma_wait3A_294 = tpu.memref_squeeze %dma_wait3A_293 : memref<1x32x512xf32, #tpu.memory_space<vmem>> -> memref<32x512xf32, #tpu.memory_space<vmem>>
    tpu.wait_dma2 semaphore(%arg9 : memref<!tpu.dma_semaphore, #tpu.memory_space<semaphore_mem>>) src(%dma_wait3A_294 : memref<32x512xf32, #tpu.memory_space<vmem>>) dst(%dma_wait3A_290 : memref<32x512xf32, #tpu.memory_space<hbm>>)
    return
  }
}

</mosaic_0001>

<sc_bundles>
// kernel: kernel.3.cloned.1.call-start
scs
__scs_entry_jumppad:
0x0: {  	(pc) =	sbr.rel $0x88, $3  }
0x1: {  	(tag) =	ssettag $0x0;
	lr =	simm.s32 $0x1  }
0x2: {  	[smem:$0x3F9F] =	sst lr;
	_ =	strace $0xD0000000  }
0x3: {  	_ = 	snop  }
0x4: {  	_ = 	snop  }
0x5: {  	_ = 	snop  }
0x6: {  	_ = 	snop  }
0x7: {  	_ = 	snop  }
__scs_overlays_trampoline_lowered:
0x8: {  	[smem:$0x3FAE] =	sst s0  }
0x9: {  	[smem:$0x3FAF] =	sst s1  }
0xa: {  	[smem:$0x3FB0] =	sst s2  }
0xb: {  	[smem:$0x3FB1] =	sst s3  }
0xc: {  	[smem:$0x3FB2] =	sst s4  }
0xd: {  	[smem:$0x3FB3] =	sst s5  }
0xe: {  	[smem:$0x3FB4] =	sst s6  }
0xf: {  	[smem:$0x3FB5] =	sst s7  }
0x10: {  	[smem:$0x3FB6] =	sst s8  }
0x11: {  	[smem:$0x3FB7] =	sst s9;
	s0 =	simm.s32 @!p0 $0x0  }
0x12: {  	s1 =	sld [smem:$0x3F9D];
	s0 =	simm.s32 @p0 $0x1  }
0x13: {  	[smem:$0x3FB8] =	sst s0;
	s0 =	simm.s32 @!p1 $0x0  }
0x14: {  	s2 =	sld [smem:$0x3F9C];
	s0 =	simm.s32 @p1 $0x1  }
0x15: {  	[smem:$0x3FB9] =	sst s0;
	s0 =	simm.s32 @!p2 $0x0  }
0x16: {  	s3 =	sld [smem:$0x3FDB];
	s0 =	simm.s32 @p2 $0x1  }
0x17: {  	s4 =	simm.s32 $0x1BF5;
	[smem:$0x3FBB] =	sst s0  }
0x18: {  	s0 =	sld [smem:$0x3F9E];
	_ =	swait.ge [sflag:s4], $0x0  }
0x19: {  	s7 =	sld [smem:$0x3F9F]  }
0x1a: {  	s8 =	sadd.s32 $0xFFFFE003, lr  }
0x1b: {  	s9 =	sadd.s32 $0xFFFFFEF7, lr;
	s5 =	simm.s32 $0xFFFFFFFF;
	p2 =	slt.u32 s8, $0xFFFFF086  }
0x1c: {  	p1 =	slt.u32 s9, $0xF7A;
	s5 =	simm.s32 @!p2 $0x0  }
0x1d: {  	s5 =	simm.s32 @p1 $0x1;
	p0 =	seq.s32 s7, s2  }
0x1e: {  	s7 =	smul.u32 @!p0 $0xF7A, s2;
	p2 =	seq.s32 @!p0 s5, $0x0  }
0x1f: {  	s9 =	smul.u32 $0xF7A, s1;
	s8 =	simm.s32 @!p0 $0x1BF5;
	p2 =	por !p2, p0  }
0x20: {  	[sflag:s8] =	ssyncset.s32 @!p0 $0xFFFFF086;
	s6 =	sadd.s32 @!p0 s3, s7;
	s7 =	simm.s32 @!p0 $0x108  }
0x21: {  	s3 =	sadd.s32 s3, s9;
	s6 =	sadd.s32 @!p0 $0x88, s6;
	s7 =	simm.s32 @p2 $0x1082  }
0x22: {  	[simem:s7], [sflag:s8] =	dma.local @!p0 [hbm:s6], $0xF7A  }
0x23: {  	s9 =	sor.u32 $0xD0000000, s2;
	s6 =	simm.s32 $0x108;
	_ =	swait.ge @!p0 [sflag:s8], $0x0  }
0x24: {  	s3 =	sadd.s32 $0x88, s3;
	s6 =	simm.s32 @!p1 $0x1082;
	[sflag:s4] =	ssyncset.s32 $0xFFFFF086  }
0x25: {  	[simem:s6], [sflag:s4] =	dma.local [hbm:s3], $0xF7A  }
0x26: {  	[smem:$0x3F9F] =	sst s1;
	(tag) =	ssettag s2;
	_ =	strace s9  }
0x27: {  	s1 =	sld [smem:$0x3FAF]  }
0x28: {  	s2 =	sld [smem:$0x3FB0]  }
0x29: {  	s4 =	sld [smem:$0x3FB2]  }
0x2a: {  	p0 =	seq.s32 s5, $0x0;
	s5 =	sld [smem:$0x3FB3]  }
0x2b: {  	s6 =	sld [smem:$0x3FB4]  }
0x2c: {  	s7 =	sld [smem:$0x3FB5]  }
0x2d: {  	s3 =	simm.s32 $0x108;
	s8 =	sld [smem:$0x3FB6]  }
0x2e: {  	s3 =	simm.s32 @!p0 $0x1082;
	s9 =	sld [smem:$0x3FB7]  }
0x2f: {  	lr =	sadd.s32 s0, s3;
	s0 =	sld [smem:$0x3FAE]  }
0x30: {  	s3 =	sld [smem:$0x3FB1]  }
0x31: {  	[smem:$0x3FBA] =	sst s10  }
0x32: {  	s10 =	sld [smem:$0x3FB8];
	_ =	sdelay $0x3  }
0x33: {  	p0 =	seq.s32 s10, $0x1;
	s10 =	sld [smem:$0x3FBA];
	_ =	sdelay $0x3  }
0x34: {  	[smem:$0x3FBA] =	sst s10  }
0x35: {  	s10 =	sld [smem:$0x3FB9];
	_ =	sdelay $0x3  }
0x36: {  	p1 =	seq.s32 s10, $0x1;
	s10 =	sld [smem:$0x3FBA];
	_ =	sdelay $0x3  }
0x37: {  	[smem:$0x3FBA] =	sst s10  }
0x38: {  	s10 =	sld [smem:$0x3FBB]  }
0x39: {  	_ = 	snop;
	(pc) =	sbr.ind lr, $3  }
0x3a: {  	_ = 	snop  }
0x3b: {  	_ = 	snop  }
0x3c: {  	p2 =	seq.s32 s10, $0x1;
	s10 =	sld [smem:$0x3FBA]  }
0x3d: {  	_ =	shalt  }
0x3e: {  	_ =	shalt  }
0x3f: {  	_ =	shalt  }
0x40: {  	_ =	shalt  }
0x41: {  	_ =	shalt  }
0x42: {  	_ =	shalt  }
0x43: {  	_ =	shalt  }
0x44: {  	_ =	shalt  }
0x45: {  	_ =	shalt  }
0x46: {  	_ =	shalt  }
0x47: {  	_ =	shalt  }
0x48: {  	_ =	shalt  }
0x49: {  	_ =	shalt  }
0x4a: {  	_ =	shalt  }
0x4b: {  	_ =	shalt  }
0x4c: {  	_ =	shalt  }
0x4d: {  	_ =	shalt  }
0x4e: {  	_ =	shalt  }
0x4f: {  	_ =	shalt  }
0x50: {  	_ =	shalt  }
0x51: {  	_ =	shalt  }
0x52: {  	_ =	shalt  }
0x53: {  	_ =	shalt  }
0x54: {  	_ =	shalt  }
0x55: {  	_ =	shalt  }
0x56: {  	_ =	shalt  }
0x57: {  	_ =	shalt  }
0x58: {  	_ =	shalt  }
0x59: {  	_ =	shalt  }
0x5a: {  	_ =	shalt  }
0x5b: {  	_ =	shalt  }
0x5c: {  	_ =	shalt  }
0x5d: {  	_ =	shalt  }
0x5e: {  	_ =	shalt  }
0x5f: {  	_ =	shalt  }
0x60: {  	_ =	shalt  }
0x61: {  	_ =	shalt  }
0x62: {  	_ =	shalt  }
0x63: {  	_ =	shalt  }
0x64: {  	_ =	shalt  }
0x65: {  	_ =	shalt  }
0x66: {  	_ =	shalt  }
0x67: {  	_ =	shalt  }
0x68: {  	_ =	shalt  }
0x69: {  	_ =	shalt  }
0x6a: {  	_ =	shalt  }
0x6b: {  	_ =	shalt  }
0x6c: {  	_ =	shalt  }
0x6d: {  	_ =	shalt  }
0x6e: {  	_ =	shalt  }
0x6f: {  	_ =	shalt  }
0x70: {  	_ =	shalt  }
0x71: {  	_ =	shalt  }
0x72: {  	_ =	shalt  }
0x73: {  	_ =	shalt  }
0x74: {  	_ =	shalt  }
0x75: {  	_ =	shalt  }
0x76: {  	_ =	shalt  }
0x77: {  	_ =	shalt  }
0x78: {  	_ =	shalt  }
0x79: {  	_ =	shalt  }
0x7a: {  	_ =	shalt  }
0x7b: {  	_ =	shalt  }
0x7c: {  	_ =	shalt  }
0x7d: {  	_ =	shalt  }
0x7e: {  	_ =	shalt  }
0x7f: {  	_ =	shalt  }
0x80: {  	_ =	shalt  }
0x81: {  	_ =	shalt  }
0x82: {  	_ =	shalt  }
0x83: {  	_ =	shalt  }
0x84: {  	_ =	shalt  }
0x85: {  	_ =	shalt  }
0x86: {  	_ =	shalt  }
0x87: {  	_ =	shalt  }
.Lfunc_end0:
.L_simem_size_0:
called_computation_lowered:
.L_overlay_start_0:
0x88: {  	s2 =	sld [smem:$0x3FD9]  }
0x89: {  	s3 =	sld [smem:$0x3FFE];
	_ =	sdelay $0x1  }
0x8a: {  	s1 =	srdreg.scid  }
0x8b: {  	s0 =	sand.u32 $0x1, s1  }
0x8c: {  	s17 =	sshll.u32 s0, $0xA;
	s2 =	sadd.s32 s3, s2  }
0x8d: {  	s2 =	sadd.s32 s2, s17  }
0x8e: {  	[smem:$0x3FC6] =	sst s2  }
0x8f: {  	_ = 	snop  }
0x90: {  	s2 =	sld [smem:$0x3FD0];
	(tm) =	ssettm $0x1  }
0x91: {  	s18 =	sld [smem:$0x3FFB];
	_ =	sdelay $0x3  }
0x92: {  	_ =	strace s18  }
0x93: {  	s3 =	sld [smem:$0x3FFC];
	_ =	sdelay $0x3  }
0x94: {  	_ =	strace s3  }
0x95: {  	s3 =	sld [smem:$0x3FFD];
	_ =	sdelay $0x3  }
0x96: {  	_ =	strace s3  }
0x97: {  	_ =	strace $0x8FFFFFFF  }
0x98: {  	s19 =	sld [smem:$0x3FDB];
	_ =	sdelay $0x1  }
0x99: {  	s4 =	simm.s32 $_scs_section_size  }
0x9a: {  	s5 =	simm.s32 $_size__tile_overlayer_lowered;
	s6 =	simm.s32 $_tile_overlayer_lowered  }
0x9b: {  	s22 =	simm.s32 $0x1BFF;
	s21 =	sshll.u32 s6, $0x1;
	s3 =	sadd.s32 s4, s19  }
0x9c: {  	s7 =	simm.s32 $0x0;
	s20 =	sshll.u32 s5, $0x1;
	s5 =	sadd.s32 s21, s3  }
0x9d: {  	[timem:s7], [sflag:s22] =	dma.local [hbm:s5], s20  }
0x9e: {  	_ =	swait.ge [sflag:s22], s20  }
0x9f: {  	s4 =	ssub.s32 $0x0, s20;
	[sflag:s22] =	ssyncset.done $0x0  }
0xa0: {  	[sflag:s22] =	ssyncadd.s32 s4;
	_ =	sdelay $0x1  }
0xa1: {  	s23 =	simm.s32 $0x1B8B  }
0xa2: {  	_ =	swait.ge [sflag:s23], $0x1  }
0xa3: {  	[sflag:s23] =	ssyncset.done $0x0  }
0xa4: {  	s25 =	simm.s32 $0x1B8E;
	s24 =	sld [smem:$0x3FFE];
	[sflag:s23] =	ssyncadd.s32 $0xFFFFFFFF  }
0xa5: {  	s26 =	simm.s32 $execute0_lowered;
	[smem:$0x3FD2] =	sst s25  }
0xa6: {  	s5 =	sshll.u32 s26, $0x1;
	_ =	strace $0x80000046;
	[dreg:$0x1] =	wrdreg $0xFFFFFFFF  }
0xa7: {  	s28 =	simm.s32 $_size_execute0_lowered;
	s3 =	sadd.s32 s3, s5;
	[dreg:$0x0] =	wrdreg $0x0  }
0xa8: {  	s5 =	sshll.u32 s28, $0x1;
	[dreg:$0x2] =	wrdreg s3  }
0xa9: {  	[dreg:$0x3] =	wrdreg s5  }
0xaa: {  	[dreg:$0x4] =	wrdreg $0xC0  }
0xab: {  	_ =	task [dreg:s7], $0x5FFFF  }
0xac: {  	[dreg:$0x1] =	wrdreg $0xFFFFFFFF  }
0xad: {  	[dreg:$0x0] =	wrdreg $0x60  }
0xae: {  	[dreg:$0x2] =	wrdreg s2  }
0xaf: {  	[dreg:$0x3] =	wrdreg s24  }
0xb0: {  	[dreg:$0x4] =	wrdreg $0x9  }
0xb1: {  	_ =	task.clear_ibuf [dreg:s7], $0x5FFFF;
	_ =	strace $0x90000046  }
0xb2: {  	s29 =	simm.s32 $0x9;
	_ =	strace $0x80000048  }
0xb3: {  	_ =	swait.ge [sflag:s29], $0x1  }
0xb4: {  	[sflag:s29] =	ssyncadd.s32 $0xFFFFFFFF  }
0xb5: {  	_ =	strace $0x90000048  }
0xb6: {  	_ =	sfence  }
0xb7: {  	s30 =	sld [smem:$0x0];
	_ =	sdelay $0x2  }
0xb8: {  	s31 =	sshll.u32 s1, $0xD;
	s1 =	sshrl.u32 s1, $0x2  }
0xb9: {  	s3 =	sand.u32 $0x4000, s31;
	s1 =	sadd.s32 s1, s30  }
0xba: {  	s0 =	sor.u32 s3, s0;
	s1 =	sshll.u32 s1, $0x11  }
0xbb: {  	s0 =	sor.u32 s1, s0  }
0xbc: {  	s0 =	sadd.s32 $0x8F2B, s0  }
0xbd: {  	[sflag:s0] =	ssyncadd.remote.s32 $0x1  }
0xbe: {  	_ =	sfence.sel $0xFFFF  }
0xbf: {  	[dreg:$0x0] =	wrdreg $0xFFFFFFFF;
	(pc) =	sbr.abs _section_cstart, $3  }
0xc0: {  	[dreg:$0x1] =	wrdreg $0xFFFFFFFF  }
0xc1: {  	_ =	task.clear_ibuf [dreg:s7], $0x2FFFF;
	_ =	strace $0x9FFFFFFF  }
0xc2: {  	(tm) =	ssettm $0x7FFFFFFF  }
0xc3: {  	_ =	shalt  }
tec
execute0_lowered:
.L_overlay_start_1:
0x0: {  	(tag) =	ssettag $0x1  }
0x1: {  	v0 =	vlaneseq.u32  }
0x2: {  	s7 =	rddreg [dreg:$0x0];
	v1 =	vor.u32 $0x100, v0  }
0x3: {  	s5 =	rddreg [dreg:$0x1];
	s2 =	simm.s32 $0x0;
	[tilespmem:$0x1FC10] =	vst v1;
	v1 =	vor.u32 $0x130, v0  }
0x4: {  	v13 =	vmul.u32 $0x20, v0;
	[smem:$0x7FF] =	sst s2;
	[tilespmem:$0x1FC20] =	vst v1;
	v1 =	vor.u32 $0x140, v0  }
0x5: {  	s0 =	rddreg [dreg:$0x2];
	_ =	strace $0x80000047;
	[tilespmem:$0x1FC30] =	vst v1  }
0x6: {  	v54 =	vor.u32 $0x200, v13;
	[tilespmem:$0x1FCB0] =	vst v13  }
0x7: {  	v17 =	vor.u32 $0x10, v0;
	[tilespmem:$0x1FCC0] =	vst v54  }
0x8: {  	v6 =	vor.u32 $0x400, v13;
	[tilespmem:$0x1FCD0] =	vst v17  }
0x9: {  	v19 =	vor.u32 $0x20, v0;
	[tilespmem:$0x1FCE0] =	vst v6  }
0xa: {  	v7 =	vor.u32 $0x600, v13;
	[tilespmem:$0x1FCF0] =	vst v19  }
0xb: {  	v21 =	vor.u32 $0x30, v0;
	[tilespmem:$0x1FD00] =	vst v7  }
0xc: {  	v8 =	vor.u32 $0x800, v13;
	[tilespmem:$0x1FD10] =	vst v21  }
0xd: {  	v23 =	vor.u32 $0x40, v0;
	[tilespmem:$0x1FD20] =	vst v8  }
0xe: {  	v9 =	vor.u32 $0xA00, v13;
	[tilespmem:$0x1FD30] =	vst v23  }
0xf: {  	v11 =	vor.u32 $0xC00, v13;
	[tilespmem:$0x1FD40] =	vst v9  }
0x10: {  	v14 =	vor.u32 $0xE00, v13;
	[tilespmem:$0x1FD50] =	vst v11  }
0x11: {  	v18 =	vor.u32 $0x1000, v13;
	[tilespmem:$0x1FD60] =	vst v14  }
0x12: {  	v22 =	vor.u32 $0x1200, v13;
	[tilespmem:$0x1FD70] =	vst v18  }
0x13: {  	v26 =	vor.u32 $0x1400, v13;
	[tilespmem:$0x1FD80] =	vst v22  }
0x14: {  	v30 =	vor.u32 $0x1600, v13;
	[tilespmem:$0x1FD90] =	vst v26  }
0x15: {  	v34 =	vor.u32 $0x1800, v13;
	[tilespmem:$0x1FDA0] =	vst v30  }
0x16: {  	v40 =	vor.u32 $0x1A00, v13;
	[tilespmem:$0x1FDB0] =	vst v34  }
0x17: {  	v43 =	vor.u32 $0x1C00, v13;
	[tilespmem:$0x1FDC0] =	vst v40  }
0x18: {  	v45 =	vor.u32 $0x1E00, v13;
	[tilespmem:$0x1FDD0] =	vst v43  }
0x19: {  	v47 =	vor.u32 $0x2000, v13;
	[tilespmem:$0x1FDE0] =	vst v45  }
0x1a: {  	v49 =	vor.u32 $0x2200, v13;
	[tilespmem:$0x1FDF0] =	vst v47  }
0x1b: {  	v51 =	vor.u32 $0x2400, v13;
	[tilespmem:$0x1FE00] =	vst v49  }
0x1c: {  	v53 =	vor.u32 $0x2600, v13;
	[tilespmem:$0x1FE10] =	vst v51  }
0x1d: {  	v55 =	vor.u32 $0x2800, v13;
	[tilespmem:$0x1FE20] =	vst v53  }
0x1e: {  	v57 =	vor.u32 $0x2A00, v13;
	[tilespmem:$0x1FE30] =	vst v55  }
0x1f: {  	v59 =	vor.u32 $0x2C00, v13;
	[tilespmem:$0x1FE40] =	vst v57  }
0x20: {  	v61 =	vor.u32 $0x2E00, v13;
	[tilespmem:$0x1FE50] =	vst v59  }
0x21: {  	v25 =	vor.u32 $0x1A0, v0;
	[tilespmem:$0x1FE60] =	vst v61  }
0x22: {  	v63 =	vor.u32 $0x3000, v13;
	[tilespmem:$0x1FE70] =	vst v25  }
0x23: {  	v27 =	vor.u32 $0x1B0, v0;
	[tilespmem:$0x1FE80] =	vst v63  }
0x24: {  	v29 =	vor.u32 $0x1C0, v0;
	[tilespmem:$0x1FE90] =	vst v27  }
0x25: {  	v33 =	vor.u32 $0x3200, v13;
	[tilespmem:$0x1FEA0] =	vst v29  }
0x26: {  	v35 =	vor.u32 $0x1D0, v0;
	[tilespmem:$0x1FEB0] =	vst v33  }
0x27: {  	v37 =	vor.u32 $0x3400, v13;
	[tilespmem:$0x1FEC0] =	vst v35  }
0x28: {  	v39 =	vor.u32 $0x1E0, v0;
	[tilespmem:$0x1FED0] =	vst v37  }
0x29: {  	v41 =	vor.u32 $0x1F0, v0;
	[tilespmem:$0x1FEE0] =	vst v39  }
0x2a: {  	v62 =	vor.u32 $0x180, v0;
	[tilespmem:$0x1FEF0] =	vst v41  }
0x2b: {  	v31 =	vor.u32 $0x190, v0;
	[tilespmem:$0x1FF00] =	vst v62  }
0x2c: {  	v10 =	vor.u32 $0x50, v0;
	[tilespmem:$0x1FF10] =	vst v31  }
0x2d: {  	v12 =	vor.u32 $0x60, v0;
	[tilespmem:$0x1FF20] =	vst v10  }
0x2e: {  	v16 =	vor.u32 $0x70, v0;
	[tilespmem:$0x1FF30] =	vst v12  }
0x2f: {  	v20 =	vor.u32 $0x80, v0;
	[tilespmem:$0x1FF40] =	vst v16  }
0x30: {  	v24 =	vor.u32 $0x90, v0;
	[tilespmem:$0x1FF50] =	vst v20  }
0x31: {  	v28 =	vor.u32 $0xA0, v0;
	[tilespmem:$0x1FF60] =	vst v24  }
0x32: {  	v32 =	vor.u32 $0xB0, v0;
	[tilespmem:$0x1FF70] =	vst v28  }
0x33: {  	v36 =	vor.u32 $0xC0, v0;
	[tilespmem:$0x1FF80] =	vst v32  }
0x34: {  	v38 =	vor.u32 $0xD0, v0;
	[tilespmem:$0x1FF90] =	vst v36  }
0x35: {  	v42 =	vor.u32 $0xE0, v0;
	[tilespmem:$0x1FFA0] =	vst v38  }
0x36: {  	v44 =	vor.u32 $0xF0, v0;
	[tilespmem:$0x1FFB0] =	vst v42  }
0x37: {  	v48 =	vor.u32 $0x110, v0;
	[tilespmem:$0x1FFC0] =	vst v44  }
0x38: {  	s3 =	srdreg.scid;
	v50 =	vor.u32 $0x120, v0;
	[tilespmem:$0x1FFD0] =	vst v48  }
0x39: {  	s1 =	stileid.u32;
	s11 =	simm.s32 $0x4000;
	s12 =	simm.s32 $0x3;
	v56 =	vor.u32 $0x150, v0;
	[tilespmem:$0x1FFE0] =	vst v50  }
0x3a: {  	s13 =	simm.s32 $0x6400;
	s14 =	simm.s32 $0xA400;
	s15 =	simm.s32 $0x1;
	v1 =	vor.u32 $0x160, v0;
	[tilespmem:$0x1FFF0] =	vst v56  }
0x3b: {  	s16 =	simm.s32 $0xE400;
	s17 =	simm.s32 $0x400;
	s18 =	simm.s32 $0x12400;
	[tilespmem:$0x1FC40] =	vst v1;
	v1 =	vor.u32 $0x170, v0  }
0x3c: {  	s19 =	simm.s32 $0x600;
	s20 =	simm.s32 $0x2;
	s3 =	sand.u32 $0x1, s3;
	[tilespmem:$0x1FC50] =	vst v1;
	v1 =	vor.u32 $0x3600, v13  }
0x3d: {  	s21 =	simm.s32 $0x0;
	s4 =	sshll.u32 s1, $0xA;
	s6 =	sshll.u32 s3, $0x9;
	[tilespmem:$0x1FC60] =	vst v1;
	v1 =	vor.u32 $0x3800, v13  }
0x3e: {  	s8 =	ssub.s32 $0x2, s3;
	s3 =	sor.u32 s6, s4;
	s4 =	sadd.s32 $0x600, s5;
	[tilespmem:$0x1FC70] =	vst v1;
	v1 =	vor.u32 $0x3A00, v13  }
0x3f: {  	s31 =	sshrl.u32 s8, $0x1;
	s5 =	sadd.s32 $0xF42A00, s5;
	s9 =	sshrl.u32 s3, $0x3;
	[tilespmem:$0x1FC80] =	vst v1;
	v1 =	vor.u32 $0x3C00, v13  }
0x40: {  	s10 =	ssub.s32 s8, s31;
	s6 =	sadd.s32 s4, s9;
	s7 =	sadd.s32 s7, s9;
	[tilespmem:$0x1FC90] =	vst v1;
	v1 =	vor.u32 $0x3E00, v13  }
0x41: {  	s9 =	smax.u32 s10, $0x1;
	s10 =	simm.s32 $0x200;
	s8 =	sadd.s32 $0x10000, s6;
	[tilespmem:$0x1FCA0] =	vst v1  }
.LBB2_1:
0x42: {  	[tilespmem:s2], [sflag:$0x3] =	stream.strided.gather [hbm4b:s7+s10], $0x6400, s11, s10, $0x38;
	[tilespmem:$0x16400] =	vst v63  }
0x43: {  	_ =	swait.ge [sflag:s12], $0x6400  }
0x44: {  	[sflag:s12] =	ssyncset.done $0x0  }
0x45: {  	v1 =	vadd.s32 s2, v0;
	[sflag:s12] =	ssyncadd.s32 $0xFFFF9C00  }
0x46: {  	v2 =	vand.u32 $0x1F, v1;
	[tilespmem:s13], [sflag:$0x1] =	stream.indirect.gather [hbm4b:s5+s10], $0x20, s2, s10, $0xb8;
	[tilespmem:$0x16400] =	vst v63  }
0x47: {  	v3 =	vor.u32 v13, v2  }
0x48: {  	[tilespmem:s14], [sflag:$0x1] =	stream.indirect.gather [hbm4b:s5+s10], $0x20, s10, s10, $0xb8;
	[tilespmem:$0x16400] =	vst v63  }
0x49: {  	_ =	swait.ge [sflag:s15], $0x4000  }
0x4a: {  	v1 =	vshll.u32 v1, $0x9;
	[sflag:s15] =	ssyncset.done $0x0  }
0x4b: {  	v1 =	vand.u32 $0x3E00, v1;
	[sflag:s15] =	ssyncadd.s32 $0xFFFFC000  }
0x4c: {  	v4 =	vor.u32 v0, v1;
	v3 =	vld.idx.msk [tilespmem:v3+s13+$0x0], $0xffff  }
0x4d: {  	v5 =	vor.u32 v54, v2;
	_ =	sdelay $0x3  }
0x4e: {  	[tilespmem:v4+s16+$0x0] =	vst.idx.msk $0xffff, v3  }
0x4f: {  	v4 =	vor.u32 v17, v1;
	v3 =	vld.idx.msk [tilespmem:v5+s13+$0x0], $0xffff  }
0x50: {  	v5 =	vor.u32 v6, v2;
	_ =	sdelay $0x3  }
0x51: {  	[tilespmem:v4+s16+$0x0] =	vst.idx.msk $0xffff, v3  }
0x52: {  	v4 =	vor.u32 v19, v1;
	v3 =	vld.idx.msk [tilespmem:v5+s13+$0x0], $0xffff  }
0x53: {  	v5 =	vor.u32 v7, v2;
	_ =	sdelay $0x3  }
0x54: {  	[tilespmem:v4+s16+$0x0] =	vst.idx.msk $0xffff, v3  }
0x55: {  	v4 =	vor.u32 v21, v1;
	v3 =	vld.idx.msk [tilespmem:v5+s13+$0x0], $0xffff  }
0x56: {  	v5 =	vor.u32 v8, v2;
	_ =	sdelay $0x3  }
0x57: {  	[tilespmem:v4+s16+$0x0] =	vst.idx.msk $0xffff, v3  }
0x58: {  	v4 =	vor.u32 v23, v1;
	v3 =	vld.idx.msk [tilespmem:v5+s13+$0x0], $0xffff  }
0x59: {  	v5 =	vor.u32 v9, v2;
	_ =	sdelay $0x3  }
0x5a: {  	[tilespmem:v4+s16+$0x0] =	vst.idx.msk $0xffff, v3  }
0x5b: {  	v4 =	vor.u32 v10, v1;
	v3 =	vld.idx.msk [tilespmem:v5+s13+$0x0], $0xffff  }
0x5c: {  	v5 =	vor.u32 v11, v2;
	_ =	sdelay $0x3  }
0x5d: {  	[tilespmem:v4+s16+$0x0] =	vst.idx.msk $0xffff, v3  }
0x5e: {  	v4 =	vor.u32 v12, v1;
	v3 =	vld.idx.msk [tilespmem:v5+s13+$0x0], $0xffff  }
0x5f: {  	v5 =	vor.u32 v14, v2;
	_ =	sdelay $0x3  }
0x60: {  	[tilespmem:v4+s16+$0x0] =	vst.idx.msk $0xffff, v3  }
0x61: {  	v4 =	vor.u32 v16, v1;
	v3 =	vld.idx.msk [tilespmem:v5+s13+$0x0], $0xffff  }
0x62: {  	v5 =	vor.u32 v18, v2;
	_ =	sdelay $0x3  }
0x63: {  	[tilespmem:v4+s16+$0x0] =	vst.idx.msk $0xffff, v3  }
0x64: {  	v4 =	vor.u32 v20, v1;
	v3 =	vld.idx.msk [tilespmem:v5+s13+$0x0], $0xffff  }
0x65: {  	v5 =	vor.u32 v22, v2;
	_ =	sdelay $0x3  }
0x66: {  	[tilespmem:v4+s16+$0x0] =	vst.idx.msk $0xffff, v3  }
0x67: {  	v4 =	vor.u32 v24, v1;
	v3 =	vld.idx.msk [tilespmem:v5+s13+$0x0], $0xffff  }
0x68: {  	v5 =	vor.u32 v26, v2;
	_ =	sdelay $0x3  }
0x69: {  	[tilespmem:v4+s16+$0x0] =	vst.idx.msk $0xffff, v3  }
0x6a: {  	v4 =	vor.u32 v28, v1;
	v3 =	vld.idx.msk [tilespmem:v5+s13+$0x0], $0xffff  }
0x6b: {  	v5 =	vor.u32 v30, v2;
	_ =	sdelay $0x3  }
0x6c: {  	[tilespmem:v4+s16+$0x0] =	vst.idx.msk $0xffff, v3  }
0x6d: {  	v4 =	vor.u32 v32, v1;
	v3 =	vld.idx.msk [tilespmem:v5+s13+$0x0], $0xffff  }
0x6e: {  	v5 =	vor.u32 v34, v2;
	_ =	sdelay $0x3  }
0x6f: {  	[tilespmem:v4+s16+$0x0] =	vst.idx.msk $0xffff, v3  }
0x70: {  	v4 =	vor.u32 v36, v1;
	v3 =	vld.idx.msk [tilespmem:v5+s13+$0x0], $0xffff  }
0x71: {  	v5 =	vor.u32 v40, v2;
	_ =	sdelay $0x3  }
0x72: {  	[tilespmem:v4+s16+$0x0] =	vst.idx.msk $0xffff, v3  }
0x73: {  	v4 =	vor.u32 v38, v1;
	v3 =	vld.idx.msk [tilespmem:v5+s13+$0x0], $0xffff  }
0x74: {  	v5 =	vor.u32 v43, v2;
	_ =	sdelay $0x3  }
0x75: {  	[tilespmem:v4+s16+$0x0] =	vst.idx.msk $0xffff, v3  }
0x76: {  	v4 =	vor.u32 v42, v1;
	v3 =	vld.idx.msk [tilespmem:v5+s13+$0x0], $0xffff  }
0x77: {  	v5 =	vor.u32 v45, v2;
	_ =	sdelay $0x3  }
0x78: {  	[tilespmem:v4+s16+$0x0] =	vst.idx.msk $0xffff, v3  }
0x79: {  	v4 =	vor.u32 v44, v1;
	v3 =	vld.idx.msk [tilespmem:v5+s13+$0x0], $0xffff;
	_ =	sdelay $0x4  }
0x7a: {  	v5 =	vor.u32 v47, v2;
	[tilespmem:v4+s16+$0x0] =	vst.idx.msk $0xffff, v3;
	v4 =	vld [tilespmem:$0x1FC10];
	_ =	sdelay $0x4  }
0x7b: {  	v3 =	vld.idx.msk [tilespmem:v5+s13+$0x0], $0xffff;
	v4 =	vor.u32 v4, v1  }
0x7c: {  	v5 =	vor.u32 v49, v2;
	_ =	sdelay $0x3  }
0x7d: {  	[tilespmem:v4+s16+$0x0] =	vst.idx.msk $0xffff, v3  }
0x7e: {  	v4 =	vor.u32 v48, v1;
	v3 =	vld.idx.msk [tilespmem:v5+s13+$0x0], $0xffff  }
0x7f: {  	v5 =	vor.u32 v51, v2;
	_ =	sdelay $0x3  }
0x80: {  	[tilespmem:v4+s16+$0x0] =	vst.idx.msk $0xffff, v3  }
0x81: {  	v4 =	vor.u32 v50, v1;
	v3 =	vld.idx.msk [tilespmem:v5+s13+$0x0], $0xffff;
	_ =	sdelay $0x4  }
0x82: {  	v5 =	vor.u32 v53, v2;
	[tilespmem:v4+s16+$0x0] =	vst.idx.msk $0xffff, v3;
	v4 =	vld [tilespmem:$0x1FC20];
	_ =	sdelay $0x4  }
0x83: {  	v3 =	vld.idx.msk [tilespmem:v5+s13+$0x0], $0xffff;
	v4 =	vor.u32 v4, v1;
	_ =	sdelay $0x4  }
0x84: {  	v5 =	vor.u32 v55, v2;
	[tilespmem:v4+s16+$0x0] =	vst.idx.msk $0xffff, v3;
	v4 =	vld [tilespmem:$0x1FC30];
	_ =	sdelay $0x4  }
0x85: {  	v3 =	vld.idx.msk [tilespmem:v5+s13+$0x0], $0xffff;
	v4 =	vor.u32 v4, v1  }
0x86: {  	v5 =	vor.u32 v57, v2;
	_ =	sdelay $0x3  }
0x87: {  	[tilespmem:v4+s16+$0x0] =	vst.idx.msk $0xffff, v3  }
0x88: {  	v4 =	vor.u32 v56, v1;
	v3 =	vld.idx.msk [tilespmem:v5+s13+$0x0], $0xffff;
	_ =	sdelay $0x4  }
0x89: {  	v5 =	vor.u32 v59, v2;
	[tilespmem:v4+s16+$0x0] =	vst.idx.msk $0xffff, v3;
	v4 =	vld [tilespmem:$0x1FC40];
	_ =	sdelay $0x4  }
0x8a: {  	v3 =	vld.idx.msk [tilespmem:v5+s13+$0x0], $0xffff;
	v4 =	vor.u32 v4, v1;
	_ =	sdelay $0x4  }
0x8b: {  	v5 =	vor.u32 v61, v2;
	[tilespmem:v4+s16+$0x0] =	vst.idx.msk $0xffff, v3;
	v4 =	vld [tilespmem:$0x1FC50];
	_ =	sdelay $0x4  }
0x8c: {  	v3 =	vld.idx.msk [tilespmem:v5+s13+$0x0], $0xffff;
	v4 =	vor.u32 v4, v1  }
0x8d: {  	v5 =	vor.u32 v63, v2;
	_ =	sdelay $0x3  }
0x8e: {  	[tilespmem:v4+s16+$0x0] =	vst.idx.msk $0xffff, v3  }
0x8f: {  	v4 =	vor.u32 v62, v1;
	v3 =	vld.idx.msk [tilespmem:v5+s13+$0x0], $0xffff  }
0x90: {  	v5 =	vor.u32 v33, v2;
	_ =	sdelay $0x3  }
0x91: {  	[tilespmem:v4+s16+$0x0] =	vst.idx.msk $0xffff, v3  }
0x92: {  	v4 =	vor.u32 v31, v1;
	v3 =	vld.idx.msk [tilespmem:v5+s13+$0x0], $0xffff  }
0x93: {  	v5 =	vor.u32 v37, v2  }
0x94: {  	v15 =	vld [tilespmem:$0x1FC60];
	_ =	sdelay $0x2  }
0x95: {  	[tilespmem:v4+s16+$0x0] =	vst.idx.msk $0xffff, v3  }
0x96: {  	v4 =	vor.u32 v25, v1;
	v3 =	vld.idx.msk [tilespmem:v5+s13+$0x0], $0xffff  }
0x97: {  	v5 =	vor.u32 v15, v2  }
0x98: {  	v60 =	vld [tilespmem:$0x1FC70];
	_ =	sdelay $0x2  }
0x99: {  	[tilespmem:v4+s16+$0x0] =	vst.idx.msk $0xffff, v3  }
0x9a: {  	v4 =	vor.u32 v27, v1;
	v3 =	vld.idx.msk [tilespmem:v5+s13+$0x0], $0xffff  }
0x9b: {  	v5 =	vor.u32 v60, v2  }
0x9c: {  	v52 =	vld [tilespmem:$0x1FC80];
	_ =	sdelay $0x2  }
0x9d: {  	[tilespmem:v4+s16+$0x0] =	vst.idx.msk $0xffff, v3  }
0x9e: {  	v4 =	vor.u32 v29, v1;
	v3 =	vld.idx.msk [tilespmem:v5+s13+$0x0], $0xffff  }
0x9f: {  	v5 =	vor.u32 v52, v2  }
0xa0: {  	v46 =	vld [tilespmem:$0x1FC90];
	_ =	sdelay $0x2  }
0xa1: {  	[tilespmem:v4+s16+$0x0] =	vst.idx.msk $0xffff, v3  }
0xa2: {  	v4 =	vor.u32 v35, v1;
	v3 =	vld.idx.msk [tilespmem:v5+s13+$0x0], $0xffff  }
0xa3: {  	v5 =	vor.u32 v46, v2  }
0xa4: {  	v58 =	vld [tilespmem:$0x1FCA0];
	_ =	sdelay $0x2  }
0xa5: {  	[tilespmem:v4+s16+$0x0] =	vst.idx.msk $0xffff, v3  }
0xa6: {  	v4 =	vor.u32 v39, v1;
	v3 =	vld.idx.msk [tilespmem:v5+s13+$0x0], $0xffff  }
0xa7: {  	v2 =	vor.u32 v58, v2;
	_ =	sdelay $0x3  }
0xa8: {  	s22 =	simm.s32 $0x1;
	[tilespmem:v4+s16+$0x0] =	vst.idx.msk $0xffff, v3  }
0xa9: {  	v3 =	vadd.s32 s22, v0;
	s22 =	simm.s32 $0x2;
	v4 =	vld.idx.msk [tilespmem:v2+s13+$0x0], $0xffff  }
.LBB2_2:
0xaa: {  	v2 =	vand.u32 $0x1F, v3;
	v1 =	vor.u32 v41, v1  }
0xab: {  	v5 =	vor.u32 v13, v2;
	_ =	sdelay $0x2  }
0xac: {  	v3 =	vshll.u32 v3, $0x9  }
0xad: {  	[tilespmem:v1+s16+$0x0] =	vst.idx.msk $0xffff, v4;
	v1 =	vand.u32 $0x3E00, v3  }
0xae: {  	v4 =	vld.idx.msk [tilespmem:v5+s13+$0x0], $0xffff;
	v3 =	vor.u32 v0, v1  }
0xaf: {  	v5 =	vor.u32 v54, v2;
	_ =	sdelay $0x3  }
0xb0: {  	[tilespmem:v3+s16+$0x0] =	vst.idx.msk $0xffff, v4  }
0xb1: {  	v4 =	vor.u32 v17, v1;
	v3 =	vld.idx.msk [tilespmem:v5+s13+$0x0], $0xffff  }
0xb2: {  	v5 =	vor.u32 v6, v2;
	_ =	sdelay $0x3  }
0xb3: {  	[tilespmem:v4+s16+$0x0] =	vst.idx.msk $0xffff, v3  }
0xb4: {  	v4 =	vor.u32 v19, v1;
	v3 =	vld.idx.msk [tilespmem:v5+s13+$0x0], $0xffff  }
0xb5: {  	v5 =	vor.u32 v7, v2;
	_ =	sdelay $0x3  }
0xb6: {  	[tilespmem:v4+s16+$0x0] =	vst.idx.msk $0xffff, v3  }
0xb7: {  	v4 =	vor.u32 v21, v1;
	v3 =	vld.idx.msk [tilespmem:v5+s13+$0x0], $0xffff  }
0xb8: {  	v5 =	vor.u32 v8, v2;
	_ =	sdelay $0x3  }
0xb9: {  	[tilespmem:v4+s16+$0x0] =	vst.idx.msk $0xffff, v3  }
0xba: {  	v4 =	vor.u32 v23, v1;
	v3 =	vld.idx.msk [tilespmem:v5+s13+$0x0], $0xffff  }
0xbb: {  	v5 =	vor.u32 v9, v2;
	_ =	sdelay $0x3  }
0xbc: {  	[tilespmem:v4+s16+$0x0] =	vst.idx.msk $0xffff, v3  }
0xbd: {  	v4 =	vor.u32 v10, v1;
	v3 =	vld.idx.msk [tilespmem:v5+s13+$0x0], $0xffff  }
0xbe: {  	v5 =	vor.u32 v11, v2;
	_ =	sdelay $0x3  }
0xbf: {  	[tilespmem:v4+s16+$0x0] =	vst.idx.msk $0xffff, v3  }
0xc0: {  	v4 =	vor.u32 v12, v1;
	v3 =	vld.idx.msk [tilespmem:v5+s13+$0x0], $0xffff  }
0xc1: {  	v5 =	vor.u32 v14, v2;
	_ =	sdelay $0x3  }
0xc2: {  	[tilespmem:v4+s16+$0x0] =	vst.idx.msk $0xffff, v3  }
0xc3: {  	v4 =	vor.u32 v16, v1;
	v3 =	vld.idx.msk [tilespmem:v5+s13+$0x0], $0xffff  }
0xc4: {  	v5 =	vor.u32 v18, v2;
	_ =	sdelay $0x3  }
0xc5: {  	[tilespmem:v4+s16+$0x0] =	vst.idx.msk $0xffff, v3  }
0xc6: {  	v4 =	vor.u32 v20, v1;
	v3 =	vld.idx.msk [tilespmem:v5+s13+$0x0], $0xffff  }
0xc7: {  	v5 =	vor.u32 v22, v2;
	_ =	sdelay $0x3  }
0xc8: {  	[tilespmem:v4+s16+$0x0] =	vst.idx.msk $0xffff, v3  }
0xc9: {  	v4 =	vor.u32 v24, v1;
	v3 =	vld.idx.msk [tilespmem:v5+s13+$0x0], $0xffff  }
0xca: {  	v5 =	vor.u32 v26, v2;
	_ =	sdelay $0x3  }
0xcb: {  	[tilespmem:v4+s16+$0x0] =	vst.idx.msk $0xffff, v3  }
0xcc: {  	v4 =	vor.u32 v28, v1;
	v3 =	vld.idx.msk [tilespmem:v5+s13+$0x0], $0xffff  }
0xcd: {  	v5 =	vor.u32 v30, v2;
	_ =	sdelay $0x3  }
0xce: {  	[tilespmem:v4+s16+$0x0] =	vst.idx.msk $0xffff, v3  }
0xcf: {  	v4 =	vor.u32 v32, v1;
	v3 =	vld.idx.msk [tilespmem:v5+s13+$0x0], $0xffff  }
0xd0: {  	v5 =	vor.u32 v34, v2;
	_ =	sdelay $0x3  }
0xd1: {  	[tilespmem:v4+s16+$0x0] =	vst.idx.msk $0xffff, v3  }
0xd2: {  	v4 =	vor.u32 v36, v1;
	v3 =	vld.idx.msk [tilespmem:v5+s13+$0x0], $0xffff  }
0xd3: {  	v5 =	vor.u32 v40, v2;
	_ =	sdelay $0x3  }
0xd4: {  	[tilespmem:v4+s16+$0x0] =	vst.idx.msk $0xffff, v3  }
0xd5: {  	v4 =	vor.u32 v38, v1;
	v3 =	vld.idx.msk [tilespmem:v5+s13+$0x0], $0xffff  }
0xd6: {  	v5 =	vor.u32 v43, v2;
	_ =	sdelay $0x3  }
0xd7: {  	[tilespmem:v4+s16+$0x0] =	vst.idx.msk $0xffff, v3  }
0xd8: {  	v4 =	vor.u32 v42, v1;
	v3 =	vld.idx.msk [tilespmem:v5+s13+$0x0], $0xffff  }
0xd9: {  	v5 =	vor.u32 v45, v2;
	_ =	sdelay $0x3  }
0xda: {  	[tilespmem:v4+s16+$0x0] =	vst.idx.msk $0xffff, v3  }
0xdb: {  	v4 =	vor.u32 v44, v1;
	v3 =	vld.idx.msk [tilespmem:v5+s13+$0x0], $0xffff;
	_ =	sdelay $0x4  }
0xdc: {  	v5 =	vor.u32 v47, v2;
	[tilespmem:v4+s16+$0x0] =	vst.idx.msk $0xffff, v3;
	v4 =	vld [tilespmem:$0x1FC10];
	_ =	sdelay $0x4  }
0xdd: {  	v3 =	vld.idx.msk [tilespmem:v5+s13+$0x0], $0xffff;
	v4 =	vor.u32 v4, v1  }
0xde: {  	v5 =	vor.u32 v49, v2;
	_ =	sdelay $0x3  }
0xdf: {  	[tilespmem:v4+s16+$0x0] =	vst.idx.msk $0xffff, v3  }
0xe0: {  	v4 =	vor.u32 v48, v1;
	v3 =	vld.idx.msk [tilespmem:v5+s13+$0x0], $0xffff  }
0xe1: {  	v5 =	vor.u32 v51, v2;
	_ =	sdelay $0x3  }
0xe2: {  	[tilespmem:v4+s16+$0x0] =	vst.idx.msk $0xffff, v3  }
0xe3: {  	v4 =	vor.u32 v50, v1;
	v3 =	vld.idx.msk [tilespmem:v5+s13+$0x0], $0xffff;
	_ =	sdelay $0x4  }
0xe4: {  	v5 =	vor.u32 v53, v2;
	[tilespmem:v4+s16+$0x0] =	vst.idx.msk $0xffff, v3;
	v4 =	vld [tilespmem:$0x1FC20];
	_ =	sdelay $0x4  }
0xe5: {  	v3 =	vld.idx.msk [tilespmem:v5+s13+$0x0], $0xffff;
	v4 =	vor.u32 v4, v1;
	_ =	sdelay $0x4  }
0xe6: {  	v5 =	vor.u32 v55, v2;
	[tilespmem:v4+s16+$0x0] =	vst.idx.msk $0xffff, v3;
	v4 =	vld [tilespmem:$0x1FC30];
	_ =	sdelay $0x4  }
0xe7: {  	v3 =	vld.idx.msk [tilespmem:v5+s13+$0x0], $0xffff;
	v4 =	vor.u32 v4, v1  }
0xe8: {  	v5 =	vor.u32 v57, v2;
	_ =	sdelay $0x3  }
0xe9: {  	[tilespmem:v4+s16+$0x0] =	vst.idx.msk $0xffff, v3  }
0xea: {  	v4 =	vor.u32 v56, v1;
	v3 =	vld.idx.msk [tilespmem:v5+s13+$0x0], $0xffff;
	_ =	sdelay $0x4  }
0xeb: {  	v5 =	vor.u32 v59, v2;
	[tilespmem:v4+s16+$0x0] =	vst.idx.msk $0xffff, v3;
	v4 =	vld [tilespmem:$0x1FC40];
	_ =	sdelay $0x4  }
0xec: {  	v3 =	vld.idx.msk [tilespmem:v5+s13+$0x0], $0xffff;
	v4 =	vor.u32 v4, v1;
	_ =	sdelay $0x4  }
0xed: {  	v5 =	vor.u32 v61, v2;
	[tilespmem:v4+s16+$0x0] =	vst.idx.msk $0xffff, v3;
	v4 =	vld [tilespmem:$0x1FC50];
	_ =	sdelay $0x4  }
0xee: {  	v3 =	vld.idx.msk [tilespmem:v5+s13+$0x0], $0xffff;
	v4 =	vor.u32 v4, v1  }
0xef: {  	v5 =	vor.u32 v63, v2;
	_ =	sdelay $0x3  }
0xf0: {  	[tilespmem:v4+s16+$0x0] =	vst.idx.msk $0xffff, v3  }
0xf1: {  	v4 =	vor.u32 v62, v1;
	v3 =	vld.idx.msk [tilespmem:v5+s13+$0x0], $0xffff  }
0xf2: {  	v5 =	vor.u32 v33, v2;
	_ =	sdelay $0x3  }
0xf3: {  	[tilespmem:v4+s16+$0x0] =	vst.idx.msk $0xffff, v3  }
0xf4: {  	v4 =	vor.u32 v31, v1;
	v3 =	vld.idx.msk [tilespmem:v5+s13+$0x0], $0xffff  }
0xf5: {  	v5 =	vor.u32 v37, v2;
	_ =	sdelay $0x3  }
0xf6: {  	[tilespmem:v4+s16+$0x0] =	vst.idx.msk $0xffff, v3  }
0xf7: {  	v4 =	vor.u32 v25, v1;
	v3 =	vld.idx.msk [tilespmem:v5+s13+$0x0], $0xffff  }
0xf8: {  	v5 =	vor.u32 v15, v2;
	_ =	sdelay $0x3  }
0xf9: {  	[tilespmem:v4+s16+$0x0] =	vst.idx.msk $0xffff, v3  }
0xfa: {  	v4 =	vor.u32 v27, v1;
	v3 =	vld.idx.msk [tilespmem:v5+s13+$0x0], $0xffff  }
0xfb: {  	v5 =	vor.u32 v60, v2;
	_ =	sdelay $0x3  }
0xfc: {  	[tilespmem:v4+s16+$0x0] =	vst.idx.msk $0xffff, v3  }
0xfd: {  	v4 =	vor.u32 v29, v1;
	v3 =	vld.idx.msk [tilespmem:v5+s13+$0x0], $0xffff  }
0xfe: {  	v5 =	vor.u32 v52, v2;
	_ =	sdelay $0x3  }
0xff: {  	[tilespmem:v4+s16+$0x0] =	vst.idx.msk $0xffff, v3  }
0x100: {  	v4 =	vor.u32 v35, v1;
	v3 =	vld.idx.msk [tilespmem:v5+s13+$0x0], $0xffff  }
0x101: {  	v5 =	vor.u32 v46, v2;
	_ =	sdelay $0x3  }
0x102: {  	[tilespmem:v4+s16+$0x0] =	vst.idx.msk $0xffff, v3  }
0x103: {  	v4 =	vor.u32 v39, v1;
	v3 =	vld.idx.msk [tilespmem:v5+s13+$0x0], $0xffff  }
0x104: {  	p0 =	sne.s32 s22, $0x1F;
	v2 =	vor.u32 v58, v2  }
.Ltmp0:
0x105: {  	_ = 	snop;
	(pc) =	sbr.rel @p0 .LBB2_2-.Ltmp0, $3  }
0x106: {  	_ =	sdelay $0x1  }
0x107: {  	[tilespmem:v4+s16+$0x0] =	vst.idx.msk $0xffff, v3  }
0x108: {  	v3 =	vadd.s32 s22, v0;
	s22 =	sadd.s32 $0x1, s22;
	v4 =	vld.idx.msk [tilespmem:v2+s13+$0x0], $0xffff  }
0x109: {  	v2 =	vand.u32 $0x1F, v3;
	v1 =	vor.u32 v41, v1  }
0x10a: {  	v5 =	vor.u32 v13, v2;
	_ =	sdelay $0x2  }
0x10b: {  	v3 =	vshll.u32 v3, $0x9  }
0x10c: {  	[tilespmem:v1+s16+$0x0] =	vst.idx.msk $0xffff, v4;
	v1 =	vand.u32 $0x3E00, v3  }
0x10d: {  	v3 =	vld.idx.msk [tilespmem:v5+s13+$0x0], $0xffff;
	v4 =	vor.u32 v0, v1  }
0x10e: {  	v5 =	vor.u32 v54, v2;
	_ =	sdelay $0x3  }
0x10f: {  	[tilespmem:v4+s16+$0x0] =	vst.idx.msk $0xffff, v3  }
0x110: {  	v4 =	vor.u32 v17, v1;
	v3 =	vld.idx.msk [tilespmem:v5+s13+$0x0], $0xffff  }
0x111: {  	v5 =	vor.u32 v6, v2;
	_ =	sdelay $0x3  }
0x112: {  	[tilespmem:v4+s16+$0x0] =	vst.idx.msk $0xffff, v3  }
0x113: {  	v4 =	vor.u32 v19, v1;
	v3 =	vld.idx.msk [tilespmem:v5+s13+$0x0], $0xffff  }
0x114: {  	v5 =	vor.u32 v7, v2;
	_ =	sdelay $0x3  }
0x115: {  	[tilespmem:v4+s16+$0x0] =	vst.idx.msk $0xffff, v3  }
0x116: {  	v4 =	vor.u32 v21, v1;
	v3 =	vld.idx.msk [tilespmem:v5+s13+$0x0], $0xffff  }
0x117: {  	v5 =	vor.u32 v8, v2;
	_ =	sdelay $0x3  }
0x118: {  	[tilespmem:v4+s16+$0x0] =	vst.idx.msk $0xffff, v3  }
0x119: {  	v4 =	vor.u32 v23, v1;
	v3 =	vld.idx.msk [tilespmem:v5+s13+$0x0], $0xffff  }
0x11a: {  	v5 =	vor.u32 v9, v2;
	_ =	sdelay $0x3  }
0x11b: {  	[tilespmem:v4+s16+$0x0] =	vst.idx.msk $0xffff, v3  }
0x11c: {  	v4 =	vor.u32 v10, v1;
	v3 =	vld.idx.msk [tilespmem:v5+s13+$0x0], $0xffff  }
0x11d: {  	v5 =	vor.u32 v11, v2;
	_ =	sdelay $0x3  }
0x11e: {  	[tilespmem:v4+s16+$0x0] =	vst.idx.msk $0xffff, v3  }
0x11f: {  	v4 =	vor.u32 v12, v1;
	v3 =	vld.idx.msk [tilespmem:v5+s13+$0x0], $0xffff  }
0x120: {  	v5 =	vor.u32 v14, v2;
	_ =	sdelay $0x3  }
0x121: {  	[tilespmem:v4+s16+$0x0] =	vst.idx.msk $0xffff, v3  }
0x122: {  	v4 =	vor.u32 v16, v1;
	v3 =	vld.idx.msk [tilespmem:v5+s13+$0x0], $0xffff  }
0x123: {  	v5 =	vor.u32 v18, v2;
	_ =	sdelay $0x3  }
0x124: {  	[tilespmem:v4+s16+$0x0] =	vst.idx.msk $0xffff, v3  }
0x125: {  	v4 =	vor.u32 v20, v1;
	v3 =	vld.idx.msk [tilespmem:v5+s13+$0x0], $0xffff  }
0x126: {  	v5 =	vor.u32 v22, v2;
	_ =	sdelay $0x3  }
0x127: {  	[tilespmem:v4+s16+$0x0] =	vst.idx.msk $0xffff, v3  }
0x128: {  	v4 =	vor.u32 v24, v1;
	v3 =	vld.idx.msk [tilespmem:v5+s13+$0x0], $0xffff  }
0x129: {  	v5 =	vor.u32 v26, v2;
	_ =	sdelay $0x3  }
0x12a: {  	[tilespmem:v4+s16+$0x0] =	vst.idx.msk $0xffff, v3  }
0x12b: {  	v4 =	vor.u32 v28, v1;
	v3 =	vld.idx.msk [tilespmem:v5+s13+$0x0], $0xffff  }
0x12c: {  	v5 =	vor.u32 v30, v2;
	_ =	sdelay $0x3  }
0x12d: {  	[tilespmem:v4+s16+$0x0] =	vst.idx.msk $0xffff, v3  }
0x12e: {  	v4 =	vor.u32 v32, v1;
	v3 =	vld.idx.msk [tilespmem:v5+s13+$0x0], $0xffff  }
0x12f: {  	v5 =	vor.u32 v34, v2;
	_ =	sdelay $0x3  }
0x130: {  	[tilespmem:v4+s16+$0x0] =	vst.idx.msk $0xffff, v3  }
0x131: {  	v4 =	vor.u32 v36, v1;
	v3 =	vld.idx.msk [tilespmem:v5+s13+$0x0], $0xffff  }
0x132: {  	v5 =	vor.u32 v40, v2;
	_ =	sdelay $0x3  }
0x133: {  	[tilespmem:v4+s16+$0x0] =	vst.idx.msk $0xffff, v3  }
0x134: {  	v4 =	vor.u32 v38, v1;
	v3 =	vld.idx.msk [tilespmem:v5+s13+$0x0], $0xffff  }
0x135: {  	v5 =	vor.u32 v43, v2;
	_ =	sdelay $0x3  }
0x136: {  	[tilespmem:v4+s16+$0x0] =	vst.idx.msk $0xffff, v3  }
0x137: {  	v4 =	vor.u32 v42, v1;
	v3 =	vld.idx.msk [tilespmem:v5+s13+$0x0], $0xffff  }
0x138: {  	v5 =	vor.u32 v45, v2;
	_ =	sdelay $0x3  }
0x139: {  	[tilespmem:v4+s16+$0x0] =	vst.idx.msk $0xffff, v3  }
0x13a: {  	v4 =	vor.u32 v44, v1;
	v3 =	vld.idx.msk [tilespmem:v5+s13+$0x0], $0xffff;
	_ =	sdelay $0x4  }
0x13b: {  	v5 =	vor.u32 v47, v2;
	[tilespmem:v4+s16+$0x0] =	vst.idx.msk $0xffff, v3;
	v4 =	vld [tilespmem:$0x1FC10];
	_ =	sdelay $0x4  }
0x13c: {  	v3 =	vld.idx.msk [tilespmem:v5+s13+$0x0], $0xffff;
	v4 =	vor.u32 v4, v1  }
0x13d: {  	v5 =	vor.u32 v49, v2;
	_ =	sdelay $0x3  }
0x13e: {  	[tilespmem:v4+s16+$0x0] =	vst.idx.msk $0xffff, v3  }
0x13f: {  	v4 =	vor.u32 v48, v1;
	v3 =	vld.idx.msk [tilespmem:v5+s13+$0x0], $0xffff  }
0x140: {  	v5 =	vor.u32 v51, v2;
	_ =	sdelay $0x3  }
0x141: {  	[tilespmem:v4+s16+$0x0] =	vst.idx.msk $0xffff, v3  }
0x142: {  	v4 =	vor.u32 v50, v1;
	v3 =	vld.idx.msk [tilespmem:v5+s13+$0x0], $0xffff;
	_ =	sdelay $0x4  }
0x143: {  	v5 =	vor.u32 v53, v2;
	[tilespmem:v4+s16+$0x0] =	vst.idx.msk $0xffff, v3;
	v4 =	vld [tilespmem:$0x1FC20];
	_ =	sdelay $0x4  }
0x144: {  	v3 =	vld.idx.msk [tilespmem:v5+s13+$0x0], $0xffff;
	v4 =	vor.u32 v4, v1;
	_ =	sdelay $0x4  }
0x145: {  	v5 =	vor.u32 v55, v2;
	[tilespmem:v4+s16+$0x0] =	vst.idx.msk $0xffff, v3;
	v4 =	vld [tilespmem:$0x1FC30];
	_ =	sdelay $0x4  }
0x146: {  	v3 =	vld.idx.msk [tilespmem:v5+s13+$0x0], $0xffff;
	v4 =	vor.u32 v4, v1  }
0x147: {  	v5 =	vor.u32 v57, v2;
	_ =	sdelay $0x3  }
0x148: {  	[tilespmem:v4+s16+$0x0] =	vst.idx.msk $0xffff, v3  }
0x149: {  	v4 =	vor.u32 v56, v1;
	v3 =	vld.idx.msk [tilespmem:v5+s13+$0x0], $0xffff;
	_ =	sdelay $0x4  }
0x14a: {  	v5 =	vor.u32 v59, v2;
	[tilespmem:v4+s16+$0x0] =	vst.idx.msk $0xffff, v3;
	v4 =	vld [tilespmem:$0x1FC40];
	_ =	sdelay $0x4  }
0x14b: {  	v3 =	vld.idx.msk [tilespmem:v5+s13+$0x0], $0xffff;
	v4 =	vor.u32 v4, v1;
	_ =	sdelay $0x4  }
0x14c: {  	v5 =	vor.u32 v61, v2;
	[tilespmem:v4+s16+$0x0] =	vst.idx.msk $0xffff, v3;
	v4 =	vld [tilespmem:$0x1FC50];
	_ =	sdelay $0x4  }
0x14d: {  	v3 =	vld.idx.msk [tilespmem:v5+s13+$0x0], $0xffff;
	v4 =	vor.u32 v4, v1  }
0x14e: {  	v5 =	vor.u32 v63, v2;
	_ =	sdelay $0x3  }
0x14f: {  	[tilespmem:v4+s16+$0x0] =	vst.idx.msk $0xffff, v3  }
0x150: {  	v4 =	vor.u32 v62, v1;
	v3 =	vld.idx.msk [tilespmem:v5+s13+$0x0], $0xffff  }
0x151: {  	v5 =	vor.u32 v33, v2;
	_ =	sdelay $0x3  }
0x152: {  	[tilespmem:v4+s16+$0x0] =	vst.idx.msk $0xffff, v3  }
0x153: {  	v4 =	vor.u32 v31, v1;
	v3 =	vld.idx.msk [tilespmem:v5+s13+$0x0], $0xffff  }
0x154: {  	v5 =	vor.u32 v37, v2;
	_ =	sdelay $0x3  }
0x155: {  	[tilespmem:v4+s16+$0x0] =	vst.idx.msk $0xffff, v3  }
0x156: {  	v4 =	vor.u32 v25, v1;
	v3 =	vld.idx.msk [tilespmem:v5+s13+$0x0], $0xffff  }
0x157: {  	v5 =	vor.u32 v15, v2;
	_ =	sdelay $0x3  }
0x158: {  	[tilespmem:v4+s16+$0x0] =	vst.idx.msk $0xffff, v3  }
0x159: {  	v4 =	vor.u32 v27, v1;
	v3 =	vld.idx.msk [tilespmem:v5+s13+$0x0], $0xffff  }
0x15a: {  	v5 =	vor.u32 v60, v2;
	_ =	sdelay $0x3  }
0x15b: {  	[tilespmem:v4+s16+$0x0] =	vst.idx.msk $0xffff, v3  }
0x15c: {  	v4 =	vor.u32 v29, v1;
	v3 =	vld.idx.msk [tilespmem:v5+s13+$0x0], $0xffff  }
0x15d: {  	v5 =	vor.u32 v52, v2;
	_ =	sdelay $0x3  }
0x15e: {  	[tilespmem:v4+s16+$0x0] =	vst.idx.msk $0xffff, v3  }
0x15f: {  	v4 =	vor.u32 v35, v1;
	v3 =	vld.idx.msk [tilespmem:v5+s13+$0x0], $0xffff  }
0x160: {  	v5 =	vor.u32 v46, v2;
	_ =	sdelay $0x3  }
0x161: {  	[tilespmem:v4+s16+$0x0] =	vst.idx.msk $0xffff, v3  }
0x162: {  	v4 =	vor.u32 v39, v1;
	v3 =	vld.idx.msk [tilespmem:v5+s13+$0x0], $0xffff  }
0x163: {  	v2 =	vor.u32 v58, v2;
	_ =	sdelay $0x3  }
0x164: {  	[tilespmem:v4+s16+$0x0] =	vst.idx.msk $0xffff, v3  }
0x165: {  	v1 =	vor.u32 v41, v1;
	v2 =	vld.idx.msk [tilespmem:v2+s13+$0x0], $0xffff;
	_ =	sdelay $0x3  }
0x166: {  	s22 =	simm.s32 $0x0;
	v60 =	vlaneseq.u32  }
0x167: {  	[tilespmem:v1+s16+$0x0] =	vst.idx.msk $0xffff, v2;
	v1 =	vadd.s32 s22, v60  }
0x168: {  	v0 =	vor.u32 $0x4000, v13;
	[hbm4b:s6+s10] =	stream.strided.scatter [tilespmem:s16], [sflag:$0x2], $0x4000, s11, s10, $0x38;
	v7 =	vand.u32 $0x1F, v1;
	[tilespmem:$0x16400] =	vst v63  }
0x169: {  	[tilespmem:$0x1FBC0] =	vst v0;
	v2 =	vor.u32 v0, v7  }
0x16a: {  	[tilespmem:s13], [sflag:$0x1] =	stream.indirect.gather [hbm4b:s5+s10], $0x20, s17, s10, $0xb8;
	[tilespmem:$0x16400] =	vst v63  }
0x16b: {  	_ =	swait.ge [sflag:s15], $0x4000  }
0x16c: {  	[sflag:s15] =	ssyncset.done $0x0  }
0x16d: {  	v28 =	vshll.u32 v1, $0x9;
	v0 =	vor.u32 $0x4000, v60;
	[sflag:s15] =	ssyncadd.s32 $0xFFFFC000  }
0x16e: {  	[tilespmem:$0x1FBD0] =	vst v0;
	v1 =	vld.idx.msk [tilespmem:v2+s13+$0x0], $0xffff;
	v2 =	vor.u32 v0, v28;
	v0 =	vor.u32 $0x4200, v13  }
0x16f: {  	v3 =	vor.u32 v0, v7;
	_ =	sdelay $0x2  }
0x170: {  	[tilespmem:$0x1FBE0] =	vst v0  }
0x171: {  	v0 =	vor.u32 $0x4010, v60;
	[tilespmem:v2+s16+$0x0] =	vst.idx.msk $0xffff, v1  }
0x172: {  	[tilespmem:$0x1FBF0] =	vst v0;
	v2 =	vor.u32 v0, v28;
	v0 =	vor.u32 $0x4400, v13;
	v1 =	vld.idx.msk [tilespmem:v3+s13+$0x0], $0xffff  }
0x173: {  	v3 =	vor.u32 v0, v7;
	_ =	sdelay $0x3  }
0x174: {  	[tilespmem:v2+s16+$0x0] =	vst.idx.msk $0xffff, v1;
	v2 =	vor.u32 $0x4020, v60  }
0x175: {  	v1 =	vld.idx.msk [tilespmem:v3+s13+$0x0], $0xffff;
	v25 =	vmov v2;
	v2 =	vor.u32 v2, v28;
	v3 =	vor.u32 $0x4600, v13  }
0x176: {  	v27 =	vmov v3;
	v3 =	vor.u32 v3, v7;
	_ =	sdelay $0x3  }
0x177: {  	[tilespmem:v2+s16+$0x0] =	vst.idx.msk $0xffff, v1;
	v2 =	vor.u32 $0x4030, v60  }
0x178: {  	v1 =	vld.idx.msk [tilespmem:v3+s13+$0x0], $0xffff;
	v29 =	vmov v2;
	v2 =	vor.u32 v2, v28;
	v3 =	vor.u32 $0x4800, v13  }
0x179: {  	[tilespmem:$0x1FC00] =	vst v0;
	v0 =	vmov v3;
	v3 =	vor.u32 v3, v7;
	_ =	sdelay $0x3  }
0x17a: {  	[tilespmem:v2+s16+$0x0] =	vst.idx.msk $0xffff, v1;
	v2 =	vor.u32 $0x4040, v60  }
0x17b: {  	v1 =	vld.idx.msk [tilespmem:v3+s13+$0x0], $0xffff;
	v33 =	vmov v2;
	v2 =	vor.u32 v2, v28;
	v3 =	vor.u32 $0x4A00, v13  }
0x17c: {  	v35 =	vmov v3;
	v3 =	vor.u32 v3, v7;
	_ =	sdelay $0x3  }
0x17d: {  	[tilespmem:v2+s16+$0x0] =	vst.idx.msk $0xffff, v1;
	v2 =	vor.u32 $0x4050, v60  }
0x17e: {  	v1 =	vld.idx.msk [tilespmem:v3+s13+$0x0], $0xffff;
	v37 =	vmov v2;
	v2 =	vor.u32 v2, v28;
	v3 =	vor.u32 $0x4C00, v13  }
0x17f: {  	v39 =	vmov v3;
	v3 =	vor.u32 v3, v7;
	_ =	sdelay $0x3  }
0x180: {  	[tilespmem:v2+s16+$0x0] =	vst.idx.msk $0xffff, v1;
	v2 =	vor.u32 $0x4060, v60  }
0x181: {  	v1 =	vld.idx.msk [tilespmem:v3+s13+$0x0], $0xffff;
	v41 =	vmov v2;
	v2 =	vor.u32 v2, v28;
	v3 =	vor.u32 $0x4E00, v13  }
0x182: {  	v43 =	vmov v3;
	v3 =	vor.u32 v3, v7;
	_ =	sdelay $0x3  }
0x183: {  	[tilespmem:v2+s16+$0x0] =	vst.idx.msk $0xffff, v1;
	v2 =	vor.u32 $0x4070, v60  }
0x184: {  	v1 =	vld.idx.msk [tilespmem:v3+s13+$0x0], $0xffff;
	v45 =	vmov v2;
	v2 =	vor.u32 v2, v28;
	v3 =	vor.u32 $0x5000, v13  }
0x185: {  	v47 =	vmov v3;
	v3 =	vor.u32 v3, v7;
	_ =	sdelay $0x3  }
0x186: {  	[tilespmem:v2+s16+$0x0] =	vst.idx.msk $0xffff, v1;
	v2 =	vor.u32 $0x4080, v60  }
0x187: {  	v1 =	vld.idx.msk [tilespmem:v3+s13+$0x0], $0xffff;
	v49 =	vmov v2;
	v2 =	vor.u32 v2, v28;
	v3 =	vor.u32 $0x5200, v13  }
0x188: {  	v51 =	vmov v3;
	v3 =	vor.u32 v3, v7;
	_ =	sdelay $0x3  }
0x189: {  	[tilespmem:v2+s16+$0x0] =	vst.idx.msk $0xffff, v1;
	v2 =	vor.u32 $0x4090, v60  }
0x18a: {  	v1 =	vld.idx.msk [tilespmem:v3+s13+$0x0], $0xffff;
	v53 =	vmov v2;
	v2 =	vor.u32 v2, v28;
	v3 =	vor.u32 $0x5400, v13  }
0x18b: {  	v55 =	vmov v3;
	v3 =	vor.u32 v3, v7;
	_ =	sdelay $0x3  }
0x18c: {  	[tilespmem:v2+s16+$0x0] =	vst.idx.msk $0xffff, v1;
	v2 =	vor.u32 $0x40A0, v60  }
0x18d: {  	v1 =	vld.idx.msk [tilespmem:v3+s13+$0x0], $0xffff;
	v57 =	vmov v2;
	v2 =	vor.u32 v2, v28;
	v3 =	vor.u32 $0x5600, v13  }
0x18e: {  	v59 =	vmov v3;
	v3 =	vor.u32 v3, v7;
	_ =	sdelay $0x3  }
0x18f: {  	[tilespmem:v2+s16+$0x0] =	vst.idx.msk $0xffff, v1;
	v2 =	vor.u32 $0x40B0, v60  }
0x190: {  	v1 =	vld.idx.msk [tilespmem:v3+s13+$0x0], $0xffff;
	v23 =	vmov v2;
	v2 =	vor.u32 v2, v28;
	v3 =	vor.u32 $0x5800, v13  }
0x191: {  	v63 =	vmov v3;
	v3 =	vor.u32 v3, v7;
	_ =	sdelay $0x3  }
0x192: {  	[tilespmem:v2+s16+$0x0] =	vst.idx.msk $0xffff, v1;
	v2 =	vor.u32 $0x40C0, v60  }
0x193: {  	v1 =	vld.idx.msk [tilespmem:v3+s13+$0x0], $0xffff;
	v15 =	vmov v2;
	v2 =	vor.u32 v2, v28;
	v3 =	vor.u32 $0x5A00, v13  }
0x194: {  	v54 =	vmov v13;
	v13 =	vmov v3;
	v3 =	vor.u32 v3, v7;
	_ =	sdelay $0x3  }
0x195: {  	[tilespmem:v2+s16+$0x0] =	vst.idx.msk $0xffff, v1;
	v2 =	vor.u32 $0x40D0, v60  }
0x196: {  	v1 =	vld.idx.msk [tilespmem:v3+s13+$0x0], $0xffff;
	v17 =	vmov v2;
	v2 =	vor.u32 v2, v28;
	v3 =	vor.u32 $0x5C00, v54  }
0x197: {  	v61 =	vmov v3;
	v3 =	vor.u32 v3, v7;
	_ =	sdelay $0x3  }
0x198: {  	[tilespmem:v2+s16+$0x0] =	vst.idx.msk $0xffff, v1;
	v2 =	vor.u32 $0x40E0, v60  }
0x199: {  	v1 =	vld.idx.msk [tilespmem:v3+s13+$0x0], $0xffff;
	v31 =	vmov v2;
	v2 =	vor.u32 v2, v28;
	v3 =	vor.u32 $0x5E00, v54  }
0x19a: {  	v19 =	vmov v3;
	v3 =	vor.u32 v3, v7;
	_ =	sdelay $0x3  }
0x19b: {  	[tilespmem:v2+s16+$0x0] =	vst.idx.msk $0xffff, v1;
	v2 =	vor.u32 $0x40F0, v60  }
0x19c: {  	v62 =	vor.u32 $0x6000, v54;
	v1 =	vld.idx.msk [tilespmem:v3+s13+$0x0], $0xffff;
	v21 =	vmov v2;
	v2 =	vor.u32 v2, v28  }
0x19d: {  	v3 =	vor.u32 v62, v7;
	_ =	sdelay $0x3  }
0x19e: {  	[tilespmem:v2+s16+$0x0] =	vst.idx.msk $0xffff, v1;
	v1 =	vor.u32 $0x4100, v60  }
0x19f: {  	v2 =	vor.u32 $0x6200, v54;
	v3 =	vld.idx.msk [tilespmem:v3+s13+$0x0], $0xffff;
	v4 =	vor.u32 v1, v28  }
0x1a0: {  	v5 =	vor.u32 v2, v7;
	_ =	sdelay $0x3  }
0x1a1: {  	[tilespmem:v4+s16+$0x0] =	vst.idx.msk $0xffff, v3;
	v3 =	vor.u32 $0x4110, v60  }
0x1a2: {  	v4 =	vor.u32 $0x6400, v54;
	v5 =	vld.idx.msk [tilespmem:v5+s13+$0x0], $0xffff;
	v6 =	vor.u32 v3, v28  }
0x1a3: {  	v8 =	vor.u32 v4, v7;
	_ =	sdelay $0x3  }
0x1a4: {  	[tilespmem:v6+s16+$0x0] =	vst.idx.msk $0xffff, v5;
	v5 =	vor.u32 $0x4120, v60  }
0x1a5: {  	v6 =	vor.u32 $0x6600, v54;
	v8 =	vld.idx.msk [tilespmem:v8+s13+$0x0], $0xffff;
	v9 =	vor.u32 v5, v28  }
0x1a6: {  	v10 =	vor.u32 v6, v7;
	_ =	sdelay $0x3  }
0x1a7: {  	[tilespmem:v9+s16+$0x0] =	vst.idx.msk $0xffff, v8;
	v8 =	vor.u32 $0x4130, v60  }
0x1a8: {  	v9 =	vld.idx.msk [tilespmem:v10+s13+$0x0], $0xffff;
	v11 =	vor.u32 v8, v28;
	v10 =	vor.u32 $0x6800, v54  }
0x1a9: {  	v14 =	vor.u32 v10, v7;
	_ =	sdelay $0x3  }
0x1aa: {  	v12 =	vor.u32 $0x4140, v60;
	[tilespmem:v11+s16+$0x0] =	vst.idx.msk $0xffff, v9  }
0x1ab: {  	v11 =	vor.u32 v12, v28;
	v9 =	vld.idx.msk [tilespmem:v14+s13+$0x0], $0xffff;
	v14 =	vor.u32 $0x6A00, v54  }
0x1ac: {  	v18 =	vor.u32 v14, v7;
	_ =	sdelay $0x3  }
0x1ad: {  	v16 =	vor.u32 $0x4150, v60;
	[tilespmem:v11+s16+$0x0] =	vst.idx.msk $0xffff, v9  }
0x1ae: {  	v11 =	vor.u32 v16, v28;
	v9 =	vld.idx.msk [tilespmem:v18+s13+$0x0], $0xffff;
	v18 =	vor.u32 $0x6C00, v54  }
0x1af: {  	v22 =	vor.u32 v18, v7;
	_ =	sdelay $0x3  }
0x1b0: {  	v20 =	vor.u32 $0x4160, v60;
	[tilespmem:v11+s16+$0x0] =	vst.idx.msk $0xffff, v9  }
0x1b1: {  	v11 =	vor.u32 v20, v28;
	v9 =	vld.idx.msk [tilespmem:v22+s13+$0x0], $0xffff;
	v22 =	vor.u32 $0x6E00, v54  }
0x1b2: {  	v26 =	vor.u32 v22, v7;
	_ =	sdelay $0x3  }
0x1b3: {  	v24 =	vor.u32 $0x4170, v60;
	[tilespmem:v11+s16+$0x0] =	vst.idx.msk $0xffff, v9  }
0x1b4: {  	v11 =	vor.u32 v24, v28;
	v9 =	vld.idx.msk [tilespmem:v26+s13+$0x0], $0xffff;
	v26 =	vor.u32 $0x7000, v54  }
0x1b5: {  	v46 =	vor.u32 v26, v7;
	_ =	sdelay $0x3  }
0x1b6: {  	v30 =	vor.u32 $0x4180, v60;
	[tilespmem:v11+s16+$0x0] =	vst.idx.msk $0xffff, v9  }
0x1b7: {  	v32 =	vor.u32 $0x7200, v54;
	v11 =	vor.u32 v30, v28;
	v9 =	vld.idx.msk [tilespmem:v46+s13+$0x0], $0xffff  }
0x1b8: {  	v48 =	vor.u32 v32, v7;
	_ =	sdelay $0x3  }
0x1b9: {  	v34 =	vor.u32 $0x4190, v60;
	[tilespmem:v11+s16+$0x0] =	vst.idx.msk $0xffff, v9  }
0x1ba: {  	v36 =	vor.u32 $0x7400, v54;
	v11 =	vor.u32 v34, v28;
	v9 =	vld.idx.msk [tilespmem:v48+s13+$0x0], $0xffff  }
0x1bb: {  	v50 =	vor.u32 v36, v7;
	_ =	sdelay $0x3  }
0x1bc: {  	v38 =	vor.u32 $0x41A0, v60;
	[tilespmem:v11+s16+$0x0] =	vst.idx.msk $0xffff, v9  }
0x1bd: {  	v40 =	vor.u32 $0x7600, v54;
	v11 =	vor.u32 v38, v28;
	v9 =	vld.idx.msk [tilespmem:v50+s13+$0x0], $0xffff  }
0x1be: {  	v52 =	vor.u32 v40, v7;
	_ =	sdelay $0x3  }
0x1bf: {  	v42 =	vor.u32 $0x41B0, v60;
	[tilespmem:v11+s16+$0x0] =	vst.idx.msk $0xffff, v9  }
0x1c0: {  	v44 =	vor.u32 $0x7800, v54;
	v11 =	vor.u32 v42, v28;
	v9 =	vld.idx.msk [tilespmem:v52+s13+$0x0], $0xffff  }
0x1c1: {  	v56 =	vor.u32 v44, v7;
	_ =	sdelay $0x3  }
0x1c2: {  	v46 =	vor.u32 $0x41C0, v60;
	[tilespmem:v11+s16+$0x0] =	vst.idx.msk $0xffff, v9  }
0x1c3: {  	v48 =	vor.u32 $0x7A00, v54;
	v11 =	vor.u32 v46, v28;
	v9 =	vld.idx.msk [tilespmem:v56+s13+$0x0], $0xffff  }
0x1c4: {  	v58 =	vor.u32 v48, v7;
	_ =	sdelay $0x3  }
0x1c5: {  	v50 =	vor.u32 $0x41D0, v60;
	[tilespmem:v11+s16+$0x0] =	vst.idx.msk $0xffff, v9  }
0x1c6: {  	v52 =	vor.u32 $0x7C00, v54;
	v11 =	vor.u32 v50, v28;
	v9 =	vld.idx.msk [tilespmem:v58+s13+$0x0], $0xffff  }
0x1c7: {  	v56 =	vor.u32 v52, v7;
	_ =	sdelay $0x3  }
0x1c8: {  	v58 =	vmov v54;
	v54 =	vor.u32 $0x41E0, v60;
	[tilespmem:v11+s16+$0x0] =	vst.idx.msk $0xffff, v9  }
0x1c9: {  	v11 =	vor.u32 v54, v28;
	v9 =	vld.idx.msk [tilespmem:v56+s13+$0x0], $0xffff;
	v56 =	vor.u32 $0x7E00, v58  }
0x1ca: {  	v7 =	vor.u32 v56, v7;
	_ =	sdelay $0x3  }
0x1cb: {  	s23 =	simm.s32 $0x1;
	[tilespmem:v11+s16+$0x0] =	vst.idx.msk $0xffff, v9  }
0x1cc: {  	s22 =	simm.s32 $0x2;
	v58 =	vor.u32 $0x41F0, v60;
	v9 =	vadd.s32 s23, v60;
	v11 =	vld.idx.msk [tilespmem:v7+s13+$0x0], $0xffff  }
.LBB2_4:
0x1cd: {  	v60 =	vld [tilespmem:$0x1FBC0];
	_ =	sdelay $0x3  }
0x1ce: {  	v7 =	vand.u32 $0x1F, v9;
	v28 =	vor.u32 v58, v28  }
0x1cf: {  	v60 =	vor.u32 v60, v7;
	_ =	sdelay $0x3  }
0x1d0: {  	[tilespmem:v28+s16+$0x0] =	vst.idx.msk $0xffff, v11;
	v28 =	vshll.u32 v9, $0x9;
	v9 =	vld [tilespmem:$0x1FBD0]  }
0x1d1: {  	v11 =	vld.idx.msk [tilespmem:v60+s13+$0x0], $0xffff  }
0x1d2: {  	v60 =	vld [tilespmem:$0x1FBE0];
	_ =	sdelay $0x3  }
0x1d3: {  	v9 =	vor.u32 v9, v28  }
0x1d4: {  	v60 =	vor.u32 v60, v7;
	_ =	sdelay $0x3  }
0x1d5: {  	[tilespmem:v9+s16+$0x0] =	vst.idx.msk $0xffff, v11;
	v11 =	vld [tilespmem:$0x1FBF0]  }
0x1d6: {  	v9 =	vld.idx.msk [tilespmem:v60+s13+$0x0], $0xffff  }
0x1d7: {  	v60 =	vld [tilespmem:$0x1FC00];
	_ =	sdelay $0x3  }
0x1d8: {  	v11 =	vor.u32 v11, v28  }
0x1d9: {  	v60 =	vor.u32 v60, v7;
	_ =	sdelay $0x3  }
0x1da: {  	[tilespmem:v11+s16+$0x0] =	vst.idx.msk $0xffff, v9  }
0x1db: {  	v11 =	vor.u32 v25, v28;
	v9 =	vld.idx.msk [tilespmem:v60+s13+$0x0], $0xffff  }
0x1dc: {  	v60 =	vor.u32 v27, v7;
	_ =	sdelay $0x3  }
0x1dd: {  	[tilespmem:v11+s16+$0x0] =	vst.idx.msk $0xffff, v9  }
0x1de: {  	v11 =	vor.u32 v29, v28;
	v9 =	vld.idx.msk [tilespmem:v60+s13+$0x0], $0xffff  }
0x1df: {  	v60 =	vor.u32 v0, v7;
	_ =	sdelay $0x3  }
0x1e0: {  	[tilespmem:v11+s16+$0x0] =	vst.idx.msk $0xffff, v9  }
0x1e1: {  	v11 =	vor.u32 v33, v28;
	v9 =	vld.idx.msk [tilespmem:v60+s13+$0x0], $0xffff  }
0x1e2: {  	v60 =	vor.u32 v35, v7;
	_ =	sdelay $0x3  }
0x1e3: {  	[tilespmem:v11+s16+$0x0] =	vst.idx.msk $0xffff, v9  }
0x1e4: {  	v11 =	vor.u32 v37, v28;
	v9 =	vld.idx.msk [tilespmem:v60+s13+$0x0], $0xffff  }
0x1e5: {  	v60 =	vor.u32 v39, v7;
	_ =	sdelay $0x3  }
0x1e6: {  	[tilespmem:v11+s16+$0x0] =	vst.idx.msk $0xffff, v9  }
0x1e7: {  	v11 =	vor.u32 v41, v28;
	v9 =	vld.idx.msk [tilespmem:v60+s13+$0x0], $0xffff  }
0x1e8: {  	v60 =	vor.u32 v43, v7;
	_ =	sdelay $0x3  }
0x1e9: {  	[tilespmem:v11+s16+$0x0] =	vst.idx.msk $0xffff, v9  }
0x1ea: {  	v11 =	vor.u32 v45, v28;
	v9 =	vld.idx.msk [tilespmem:v60+s13+$0x0], $0xffff  }
0x1eb: {  	v60 =	vor.u32 v47, v7;
	_ =	sdelay $0x3  }
0x1ec: {  	[tilespmem:v11+s16+$0x0] =	vst.idx.msk $0xffff, v9  }
0x1ed: {  	v11 =	vor.u32 v49, v28;
	v9 =	vld.idx.msk [tilespmem:v60+s13+$0x0], $0xffff  }
0x1ee: {  	v60 =	vor.u32 v51, v7;
	_ =	sdelay $0x3  }
0x1ef: {  	[tilespmem:v11+s16+$0x0] =	vst.idx.msk $0xffff, v9  }
0x1f0: {  	v11 =	vor.u32 v53, v28;
	v9 =	vld.idx.msk [tilespmem:v60+s13+$0x0], $0xffff  }
0x1f1: {  	v60 =	vor.u32 v55, v7;
	_ =	sdelay $0x3  }
0x1f2: {  	[tilespmem:v11+s16+$0x0] =	vst.idx.msk $0xffff, v9  }
0x1f3: {  	v11 =	vor.u32 v57, v28;
	v9 =	vld.idx.msk [tilespmem:v60+s13+$0x0], $0xffff  }
0x1f4: {  	v60 =	vor.u32 v59, v7;
	_ =	sdelay $0x3  }
0x1f5: {  	[tilespmem:v11+s16+$0x0] =	vst.idx.msk $0xffff, v9  }
0x1f6: {  	v11 =	vor.u32 v23, v28;
	v9 =	vld.idx.msk [tilespmem:v60+s13+$0x0], $0xffff  }
0x1f7: {  	v60 =	vor.u32 v63, v7;
	_ =	sdelay $0x3  }
0x1f8: {  	[tilespmem:v11+s16+$0x0] =	vst.idx.msk $0xffff, v9  }
0x1f9: {  	v11 =	vor.u32 v15, v28;
	v9 =	vld.idx.msk [tilespmem:v60+s13+$0x0], $0xffff  }
0x1fa: {  	v60 =	vor.u32 v13, v7;
	_ =	sdelay $0x3  }
0x1fb: {  	[tilespmem:v11+s16+$0x0] =	vst.idx.msk $0xffff, v9  }
0x1fc: {  	v11 =	vor.u32 v17, v28;
	v9 =	vld.idx.msk [tilespmem:v60+s13+$0x0], $0xffff  }
0x1fd: {  	v60 =	vor.u32 v61, v7;
	_ =	sdelay $0x3  }
0x1fe: {  	[tilespmem:v11+s16+$0x0] =	vst.idx.msk $0xffff, v9  }
0x1ff: {  	v11 =	vor.u32 v31, v28;
	v9 =	vld.idx.msk [tilespmem:v60+s13+$0x0], $0xffff  }
0x200: {  	v60 =	vor.u32 v19, v7;
	_ =	sdelay $0x3  }
0x201: {  	[tilespmem:v11+s16+$0x0] =	vst.idx.msk $0xffff, v9  }
0x202: {  	v11 =	vor.u32 v21, v28;
	v9 =	vld.idx.msk [tilespmem:v60+s13+$0x0], $0xffff  }
0x203: {  	v60 =	vor.u32 v62, v7;
	_ =	sdelay $0x3  }
0x204: {  	[tilespmem:v11+s16+$0x0] =	vst.idx.msk $0xffff, v9  }
0x205: {  	v11 =	vor.u32 v1, v28;
	v9 =	vld.idx.msk [tilespmem:v60+s13+$0x0], $0xffff  }
0x206: {  	v60 =	vor.u32 v2, v7;
	_ =	sdelay $0x3  }
0x207: {  	[tilespmem:v11+s16+$0x0] =	vst.idx.msk $0xffff, v9  }
0x208: {  	v11 =	vor.u32 v3, v28;
	v9 =	vld.idx.msk [tilespmem:v60+s13+$0x0], $0xffff  }
0x209: {  	v60 =	vor.u32 v4, v7;
	_ =	sdelay $0x3  }
0x20a: {  	[tilespmem:v11+s16+$0x0] =	vst.idx.msk $0xffff, v9  }
0x20b: {  	v11 =	vor.u32 v5, v28;
	v9 =	vld.idx.msk [tilespmem:v60+s13+$0x0], $0xffff  }
0x20c: {  	v60 =	vor.u32 v6, v7;
	_ =	sdelay $0x3  }
0x20d: {  	[tilespmem:v11+s16+$0x0] =	vst.idx.msk $0xffff, v9  }
0x20e: {  	v11 =	vor.u32 v8, v28;
	v9 =	vld.idx.msk [tilespmem:v60+s13+$0x0], $0xffff  }
0x20f: {  	v60 =	vor.u32 v10, v7;
	_ =	sdelay $0x3  }
0x210: {  	[tilespmem:v11+s16+$0x0] =	vst.idx.msk $0xffff, v9  }
0x211: {  	v11 =	vor.u32 v12, v28;
	v9 =	vld.idx.msk [tilespmem:v60+s13+$0x0], $0xffff  }
0x212: {  	v60 =	vor.u32 v14, v7;
	_ =	sdelay $0x3  }
0x213: {  	[tilespmem:v11+s16+$0x0] =	vst.idx.msk $0xffff, v9  }
0x214: {  	v11 =	vor.u32 v16, v28;
	v9 =	vld.idx.msk [tilespmem:v60+s13+$0x0], $0xffff  }
0x215: {  	v60 =	vor.u32 v18, v7;
	_ =	sdelay $0x3  }
0x216: {  	[tilespmem:v11+s16+$0x0] =	vst.idx.msk $0xffff, v9  }
0x217: {  	v11 =	vor.u32 v20, v28;
	v9 =	vld.idx.msk [tilespmem:v60+s13+$0x0], $0xffff  }
0x218: {  	v60 =	vor.u32 v22, v7;
	_ =	sdelay $0x3  }
0x219: {  	[tilespmem:v11+s16+$0x0] =	vst.idx.msk $0xffff, v9  }
0x21a: {  	v11 =	vor.u32 v24, v28;
	v9 =	vld.idx.msk [tilespmem:v60+s13+$0x0], $0xffff  }
0x21b: {  	v60 =	vor.u32 v26, v7;
	_ =	sdelay $0x3  }
0x21c: {  	[tilespmem:v11+s16+$0x0] =	vst.idx.msk $0xffff, v9  }
0x21d: {  	v11 =	vor.u32 v30, v28;
	v9 =	vld.idx.msk [tilespmem:v60+s13+$0x0], $0xffff  }
0x21e: {  	v60 =	vor.u32 v32, v7;
	_ =	sdelay $0x3  }
0x21f: {  	[tilespmem:v11+s16+$0x0] =	vst.idx.msk $0xffff, v9  }
0x220: {  	v11 =	vor.u32 v34, v28;
	v9 =	vld.idx.msk [tilespmem:v60+s13+$0x0], $0xffff  }
0x221: {  	v60 =	vor.u32 v36, v7;
	_ =	sdelay $0x3  }
0x222: {  	[tilespmem:v11+s16+$0x0] =	vst.idx.msk $0xffff, v9  }
0x223: {  	v11 =	vor.u32 v38, v28;
	v9 =	vld.idx.msk [tilespmem:v60+s13+$0x0], $0xffff  }
0x224: {  	v60 =	vor.u32 v40, v7;
	_ =	sdelay $0x3  }
0x225: {  	[tilespmem:v11+s16+$0x0] =	vst.idx.msk $0xffff, v9  }
0x226: {  	v11 =	vor.u32 v42, v28;
	v9 =	vld.idx.msk [tilespmem:v60+s13+$0x0], $0xffff  }
0x227: {  	v60 =	vor.u32 v44, v7;
	_ =	sdelay $0x3  }
0x228: {  	[tilespmem:v11+s16+$0x0] =	vst.idx.msk $0xffff, v9  }
0x229: {  	v11 =	vor.u32 v46, v28;
	v9 =	vld.idx.msk [tilespmem:v60+s13+$0x0], $0xffff  }
0x22a: {  	v60 =	vor.u32 v48, v7;
	_ =	sdelay $0x3  }
0x22b: {  	[tilespmem:v11+s16+$0x0] =	vst.idx.msk $0xffff, v9  }
0x22c: {  	v11 =	vor.u32 v50, v28;
	v9 =	vld.idx.msk [tilespmem:v60+s13+$0x0], $0xffff  }
0x22d: {  	v60 =	vor.u32 v52, v7;
	_ =	sdelay $0x3  }
0x22e: {  	[tilespmem:v11+s16+$0x0] =	vst.idx.msk $0xffff, v9  }
0x22f: {  	v11 =	vor.u32 v54, v28;
	v9 =	vld.idx.msk [tilespmem:v60+s13+$0x0], $0xffff  }
0x230: {  	p0 =	sne.s32 s22, $0x1F;
	v7 =	vor.u32 v56, v7  }
.Ltmp1:
0x231: {  	_ = 	snop;
	(pc) =	sbr.rel @p0 .LBB2_4-.Ltmp1, $3  }
0x232: {  	_ =	sdelay $0x1  }
0x233: {  	[tilespmem:v11+s16+$0x0] =	vst.idx.msk $0xffff, v9;
	v9 =	vlaneseq.u32  }
0x234: {  	v9 =	vadd.s32 s22, v9;
	s22 =	sadd.s32 $0x1, s22;
	v11 =	vld.idx.msk [tilespmem:v7+s13+$0x0], $0xffff  }
0x235: {  	v60 =	vld [tilespmem:$0x1FBC0];
	_ =	sdelay $0x3  }
0x236: {  	v7 =	vor.u32 v58, v28;
	v28 =	vand.u32 $0x1F, v9  }
0x237: {  	v60 =	vor.u32 v60, v28;
	_ =	sdelay $0x3  }
0x238: {  	[tilespmem:v7+s16+$0x0] =	vst.idx.msk $0xffff, v11  }
0x239: {  	v7 =	vshll.u32 v9, $0x9;
	v9 =	vld.idx.msk [tilespmem:v60+s13+$0x0], $0xffff  }
0x23a: {  	v60 =	vld [tilespmem:$0x1FBD0];
	_ =	sdelay $0x4  }
0x23b: {  	v11 =	vor.u32 v60, v7;
	v60 =	vld [tilespmem:$0x1FBE0];
	_ =	sdelay $0x4  }
0x23c: {  	v60 =	vor.u32 v60, v28;
	_ =	sdelay $0x3  }
0x23d: {  	[tilespmem:v11+s16+$0x0] =	vst.idx.msk $0xffff, v9  }
0x23e: {  	v9 =	vld.idx.msk [tilespmem:v60+s13+$0x0], $0xffff  }
0x23f: {  	v60 =	vld [tilespmem:$0x1FBF0];
	_ =	sdelay $0x4  }
0x240: {  	v11 =	vor.u32 v60, v7;
	v60 =	vld [tilespmem:$0x1FC00];
	_ =	sdelay $0x4  }
0x241: {  	v60 =	vor.u32 v60, v28;
	_ =	sdelay $0x3  }
0x242: {  	[tilespmem:v11+s16+$0x0] =	vst.idx.msk $0xffff, v9  }
0x243: {  	v11 =	vor.u32 v25, v7;
	v9 =	vld.idx.msk [tilespmem:v60+s13+$0x0], $0xffff  }
0x244: {  	v60 =	vor.u32 v27, v28;
	_ =	sdelay $0x3  }
0x245: {  	[tilespmem:v11+s16+$0x0] =	vst.idx.msk $0xffff, v9  }
0x246: {  	v11 =	vor.u32 v29, v7;
	v9 =	vld.idx.msk [tilespmem:v60+s13+$0x0], $0xffff  }
0x247: {  	v60 =	vor.u32 v0, v28;
	_ =	sdelay $0x3  }
0x248: {  	[tilespmem:v11+s16+$0x0] =	vst.idx.msk $0xffff, v9  }
0x249: {  	v33 =	vor.u32 v33, v7;
	v9 =	vld.idx.msk [tilespmem:v60+s13+$0x0], $0xffff  }
0x24a: {  	v35 =	vor.u32 v35, v28;
	_ =	sdelay $0x3  }
0x24b: {  	[tilespmem:v33+s16+$0x0] =	vst.idx.msk $0xffff, v9  }
0x24c: {  	v37 =	vor.u32 v37, v7;
	v9 =	vld.idx.msk [tilespmem:v35+s13+$0x0], $0xffff  }
0x24d: {  	v39 =	vor.u32 v39, v28;
	_ =	sdelay $0x3  }
0x24e: {  	[tilespmem:v37+s16+$0x0] =	vst.idx.msk $0xffff, v9  }
0x24f: {  	v41 =	vor.u32 v41, v7;
	v9 =	vld.idx.msk [tilespmem:v39+s13+$0x0], $0xffff  }
0x250: {  	v43 =	vor.u32 v43, v28;
	_ =	sdelay $0x3  }
0x251: {  	[tilespmem:v41+s16+$0x0] =	vst.idx.msk $0xffff, v9  }
0x252: {  	v45 =	vor.u32 v45, v7;
	v9 =	vld.idx.msk [tilespmem:v43+s13+$0x0], $0xffff  }
0x253: {  	v47 =	vor.u32 v47, v28;
	_ =	sdelay $0x3  }
0x254: {  	[tilespmem:v45+s16+$0x0] =	vst.idx.msk $0xffff, v9  }
0x255: {  	v49 =	vor.u32 v49, v7;
	v9 =	vld.idx.msk [tilespmem:v47+s13+$0x0], $0xffff  }
0x256: {  	v51 =	vor.u32 v51, v28;
	_ =	sdelay $0x3  }
0x257: {  	[tilespmem:v49+s16+$0x0] =	vst.idx.msk $0xffff, v9  }
0x258: {  	v33 =	vor.u32 v53, v7;
	v9 =	vld.idx.msk [tilespmem:v51+s13+$0x0], $0xffff  }
0x259: {  	v35 =	vor.u32 v55, v28;
	_ =	sdelay $0x3  }
0x25a: {  	[tilespmem:v33+s16+$0x0] =	vst.idx.msk $0xffff, v9  }
0x25b: {  	v37 =	vor.u32 v57, v7;
	v9 =	vld.idx.msk [tilespmem:v35+s13+$0x0], $0xffff  }
0x25c: {  	v39 =	vor.u32 v59, v28;
	_ =	sdelay $0x3  }
0x25d: {  	[tilespmem:v37+s16+$0x0] =	vst.idx.msk $0xffff, v9  }
0x25e: {  	v41 =	vor.u32 v23, v7;
	v9 =	vld.idx.msk [tilespmem:v39+s13+$0x0], $0xffff  }
0x25f: {  	v43 =	vor.u32 v63, v28;
	_ =	sdelay $0x3  }
0x260: {  	[tilespmem:v41+s16+$0x0] =	vst.idx.msk $0xffff, v9  }
0x261: {  	v45 =	vor.u32 v15, v7;
	v9 =	vld.idx.msk [tilespmem:v43+s13+$0x0], $0xffff  }
0x262: {  	v47 =	vor.u32 v13, v28;
	_ =	sdelay $0x3  }
0x263: {  	[tilespmem:v45+s16+$0x0] =	vst.idx.msk $0xffff, v9  }
0x264: {  	v49 =	vor.u32 v17, v7;
	v9 =	vld.idx.msk [tilespmem:v47+s13+$0x0], $0xffff  }
0x265: {  	v51 =	vor.u32 v61, v28;
	_ =	sdelay $0x3  }
0x266: {  	[tilespmem:v49+s16+$0x0] =	vst.idx.msk $0xffff, v9  }
0x267: {  	v53 =	vor.u32 v31, v7;
	v9 =	vld.idx.msk [tilespmem:v51+s13+$0x0], $0xffff  }
0x268: {  	v55 =	vor.u32 v19, v28;
	_ =	sdelay $0x3  }
0x269: {  	[tilespmem:v53+s16+$0x0] =	vst.idx.msk $0xffff, v9  }
0x26a: {  	v57 =	vor.u32 v21, v7;
	v9 =	vld.idx.msk [tilespmem:v55+s13+$0x0], $0xffff  }
0x26b: {  	v59 =	vor.u32 v62, v28;
	_ =	sdelay $0x3  }
0x26c: {  	[tilespmem:v57+s16+$0x0] =	vst.idx.msk $0xffff, v9  }
0x26d: {  	v1 =	vor.u32 v1, v7;
	v9 =	vld.idx.msk [tilespmem:v59+s13+$0x0], $0xffff  }
0x26e: {  	v2 =	vor.u32 v2, v28;
	_ =	sdelay $0x3  }
0x26f: {  	[tilespmem:v1+s16+$0x0] =	vst.idx.msk $0xffff, v9  }
0x270: {  	v1 =	vld.idx.msk [tilespmem:v2+s13+$0x0], $0xffff;
	v2 =	vor.u32 v3, v7  }
0x271: {  	v3 =	vor.u32 v4, v28;
	_ =	sdelay $0x3  }
0x272: {  	[tilespmem:v2+s16+$0x0] =	vst.idx.msk $0xffff, v1  }
0x273: {  	v2 =	vor.u32 v5, v7;
	v1 =	vld.idx.msk [tilespmem:v3+s13+$0x0], $0xffff  }
0x274: {  	v3 =	vor.u32 v6, v28;
	_ =	sdelay $0x3  }
0x275: {  	[tilespmem:v2+s16+$0x0] =	vst.idx.msk $0xffff, v1  }
0x276: {  	v2 =	vor.u32 v8, v7;
	v1 =	vld.idx.msk [tilespmem:v3+s13+$0x0], $0xffff  }
0x277: {  	v3 =	vor.u32 v10, v28;
	_ =	sdelay $0x3  }
0x278: {  	[tilespmem:v2+s16+$0x0] =	vst.idx.msk $0xffff, v1  }
0x279: {  	v2 =	vor.u32 v12, v7;
	v1 =	vld.idx.msk [tilespmem:v3+s13+$0x0], $0xffff  }
0x27a: {  	v3 =	vor.u32 v14, v28;
	_ =	sdelay $0x3  }
0x27b: {  	[tilespmem:v2+s16+$0x0] =	vst.idx.msk $0xffff, v1  }
0x27c: {  	v2 =	vor.u32 v16, v7;
	v1 =	vld.idx.msk [tilespmem:v3+s13+$0x0], $0xffff  }
0x27d: {  	v3 =	vor.u32 v18, v28;
	_ =	sdelay $0x3  }
0x27e: {  	[tilespmem:v2+s16+$0x0] =	vst.idx.msk $0xffff, v1  }
0x27f: {  	v2 =	vor.u32 v20, v7;
	v1 =	vld.idx.msk [tilespmem:v3+s13+$0x0], $0xffff  }
0x280: {  	v3 =	vor.u32 v22, v28;
	_ =	sdelay $0x3  }
0x281: {  	[tilespmem:v2+s16+$0x0] =	vst.idx.msk $0xffff, v1  }
0x282: {  	v2 =	vor.u32 v24, v7;
	v1 =	vld.idx.msk [tilespmem:v3+s13+$0x0], $0xffff  }
0x283: {  	v3 =	vor.u32 v26, v28;
	_ =	sdelay $0x3  }
0x284: {  	[tilespmem:v2+s16+$0x0] =	vst.idx.msk $0xffff, v1  }
0x285: {  	v2 =	vor.u32 v30, v7;
	v1 =	vld.idx.msk [tilespmem:v3+s13+$0x0], $0xffff  }
0x286: {  	v3 =	vor.u32 v32, v28;
	_ =	sdelay $0x3  }
0x287: {  	[tilespmem:v2+s16+$0x0] =	vst.idx.msk $0xffff, v1  }
0x288: {  	v2 =	vor.u32 v34, v7;
	v1 =	vld.idx.msk [tilespmem:v3+s13+$0x0], $0xffff  }
0x289: {  	v3 =	vor.u32 v36, v28;
	_ =	sdelay $0x3  }
0x28a: {  	[tilespmem:v2+s16+$0x0] =	vst.idx.msk $0xffff, v1  }
0x28b: {  	v2 =	vor.u32 v38, v7;
	v1 =	vld.idx.msk [tilespmem:v3+s13+$0x0], $0xffff  }
0x28c: {  	v3 =	vor.u32 v40, v28;
	_ =	sdelay $0x3  }
0x28d: {  	[tilespmem:v2+s16+$0x0] =	vst.idx.msk $0xffff, v1  }
0x28e: {  	v2 =	vor.u32 v42, v7;
	v1 =	vld.idx.msk [tilespmem:v3+s13+$0x0], $0xffff  }
0x28f: {  	v3 =	vor.u32 v44, v28;
	_ =	sdelay $0x2  }
0x290: {  	v25 =	vld [tilespmem:$0x1FF20]  }
0x291: {  	v27 =	vld [tilespmem:$0x1FF30];
	[tilespmem:v2+s16+$0x0] =	vst.idx.msk $0xffff, v1  }
0x292: {  	v2 =	vor.u32 v46, v7;
	v1 =	vld.idx.msk [tilespmem:v3+s13+$0x0], $0xffff  }
0x293: {  	v29 =	vld [tilespmem:$0x1FF40];
	v3 =	vor.u32 v48, v28  }
0x294: {  	v0 =	vld [tilespmem:$0x1FF50]  }
0x295: {  	v31 =	vld [tilespmem:$0x1FC50]  }
0x296: {  	v19 =	vld [tilespmem:$0x1FCF0]  }
0x297: {  	v21 =	vld [tilespmem:$0x1FD10];
	[tilespmem:v2+s16+$0x0] =	vst.idx.msk $0xffff, v1  }
0x298: {  	v2 =	vor.u32 v50, v7;
	v1 =	vld.idx.msk [tilespmem:v3+s13+$0x0], $0xffff  }
0x299: {  	v13 =	vld [tilespmem:$0x1FCB0];
	v3 =	vor.u32 v52, v28  }
0x29a: {  	v17 =	vld [tilespmem:$0x1FCD0]  }
0x29b: {  	v61 =	vld [tilespmem:$0x1FD30]  }
0x29c: {  	v33 =	vld [tilespmem:$0x1FF60]  }
0x29d: {  	v35 =	vld [tilespmem:$0x1FF70];
	[tilespmem:v2+s16+$0x0] =	vst.idx.msk $0xffff, v1  }
0x29e: {  	v2 =	vor.u32 v54, v7;
	v1 =	vld.idx.msk [tilespmem:v3+s13+$0x0], $0xffff  }
0x29f: {  	v37 =	vld [tilespmem:$0x1FF80];
	v3 =	vor.u32 v56, v28  }
0x2a0: {  	v39 =	vld [tilespmem:$0x1FF90]  }
0x2a1: {  	v41 =	vld [tilespmem:$0x1FFA0]  }
0x2a2: {  	v43 =	vld [tilespmem:$0x1FFB0]  }
0x2a3: {  	v45 =	vld [tilespmem:$0x1FFC0];
	[tilespmem:v2+s16+$0x0] =	vst.idx.msk $0xffff, v1  }
0x2a4: {  	v1 =	vor.u32 v58, v7;
	v2 =	vld.idx.msk [tilespmem:v3+s13+$0x0], $0xffff  }
0x2a5: {  	v47 =	vld [tilespmem:$0x1FC10]  }
0x2a6: {  	v49 =	vld [tilespmem:$0x1FFD0]  }
0x2a7: {  	v51 =	vld [tilespmem:$0x1FFE0]  }
0x2a8: {  	v53 =	vld [tilespmem:$0x1FC20]  }
0x2a9: {  	v55 =	vld [tilespmem:$0x1FC30];
	[tilespmem:v1+s16+$0x0] =	vst.idx.msk $0xffff, v2  }
0x2aa: {  	v57 =	vld [tilespmem:$0x1FFF0];
	[hbm4b:s8+s10] =	stream.strided.scatter [tilespmem:s18], [sflag:$0x2], $0x4000, s11, s10, $0x38  }
0x2ab: {  	s22 =	simm.s32 $0x2;
	v59 =	vld [tilespmem:$0x1FC40]  }
0x2ac: {  	v15 =	vlaneseq.u32;
	v54 =	vld [tilespmem:$0x1FCC0];
	[tilespmem:s14], [sflag:$0x1] =	stream.indirect.gather [hbm4b:s5+s10], $0x20, s19, s10, $0xb8  }
.LBB2_6:
0x2ad: {  	s23 =	sand.u32 $0x1, s22;
	s24 =	simm.s32 $0x0  }
0x2ae: {  	s23 =	sshll.u32 s23, $0xE;
	v1 =	vadd.s32 s24, v15  }
0x2af: {  	v2 =	vor.u32 s23, v13;
	v7 =	vand.u32 $0x18, v1  }
0x2b0: {  	_ =	swait.ge [sflag:s15], $0x4000;
	v9 =	vand.u32 $0x7, v1;
	v3 =	vor.u32 v2, v7  }
0x2b1: {  	[sflag:s15] =	ssyncset.done $0x0;
	v3 =	vor.u32 v9, v3  }
0x2b2: {  	[sflag:s15] =	ssyncadd.s32 $0xFFFFC000  }
0x2b3: {  	v1 =	vshll.u32 v1, $0x9;
	_ =	swait.ge [sflag:s20], $0x4000;
	v6 =	vor.u32 s23, v54  }
0x2b4: {  	v4 =	vmov s23;
	v1 =	vand.u32 $0x3E00, v1;
	[sflag:s20] =	ssyncset.done $0x0;
	v8 =	vor.u32 v6, v7  }
0x2b5: {  	v1 =	vor.u32 v4, v1;
	[sflag:s20] =	ssyncadd.s32 $0xFFFFC000;
	v10 =	vor.u32 v9, v8;
	v8 =	vld [tilespmem:$0x1FCE0]  }
0x2b6: {  	v5 =	vor.u32 v15, v1;
	v3 =	vld.idx.msk [tilespmem:v3+s13+$0x0], $0xffff;
	_ =	sdelay $0x4  }
0x2b7: {  	v8 =	vor.u32 s23, v8;
	[tilespmem:v5+s16+$0x0] =	vst.idx.msk $0xffff, v3  }
0x2b8: {  	v3 =	vld.idx.msk [tilespmem:v10+s13+$0x0], $0xffff;
	v10 =	vor.u32 v8, v7  }
0x2b9: {  	v5 =	vor.u32 v17, v1;
	v11 =	vor.u32 v9, v10;
	v10 =	vld [tilespmem:$0x1FD00];
	_ =	sdelay $0x4  }
0x2ba: {  	v12 =	vld [tilespmem:$0x1FD20];
	[tilespmem:v5+s16+$0x0] =	vst.idx.msk $0xffff, v3;
	v10 =	vor.u32 s23, v10  }
0x2bb: {  	v5 =	vor.u32 v19, v1;
	v3 =	vld.idx.msk [tilespmem:v11+s13+$0x0], $0xffff;
	v11 =	vor.u32 v10, v7  }
0x2bc: {  	v11 =	vor.u32 v9, v11;
	_ =	sdelay $0x3  }
0x2bd: {  	v13 =	vld [tilespmem:$0x1FD40];
	v12 =	vor.u32 s23, v12;
	[tilespmem:v5+s16+$0x0] =	vst.idx.msk $0xffff, v3  }
0x2be: {  	v5 =	vor.u32 v21, v1;
	v3 =	vld.idx.msk [tilespmem:v11+s13+$0x0], $0xffff;
	v11 =	vor.u32 v12, v7  }
0x2bf: {  	v11 =	vor.u32 v9, v11;
	_ =	sdelay $0x3  }
0x2c0: {  	v14 =	vor.u32 s23, v13;
	v13 =	vld [tilespmem:$0x1FD50];
	[tilespmem:v5+s16+$0x0] =	vst.idx.msk $0xffff, v3  }
0x2c1: {  	v5 =	vor.u32 v61, v1;
	v3 =	vld.idx.msk [tilespmem:v11+s13+$0x0], $0xffff;
	v11 =	vor.u32 v14, v7  }
0x2c2: {  	v11 =	vor.u32 v9, v11;
	_ =	sdelay $0x3  }
0x2c3: {  	v16 =	vor.u32 s23, v13;
	v13 =	vld [tilespmem:$0x1FD60];
	[tilespmem:v5+s16+$0x0] =	vst.idx.msk $0xffff, v3  }
0x2c4: {  	v5 =	vor.u32 v25, v1;
	v3 =	vld.idx.msk [tilespmem:v11+s13+$0x0], $0xffff;
	v11 =	vor.u32 v16, v7  }
0x2c5: {  	v11 =	vor.u32 v9, v11;
	_ =	sdelay $0x3  }
0x2c6: {  	v18 =	vor.u32 s23, v13;
	v13 =	vld [tilespmem:$0x1FD70];
	[tilespmem:v5+s16+$0x0] =	vst.idx.msk $0xffff, v3  }
0x2c7: {  	v5 =	vor.u32 v27, v1;
	v3 =	vld.idx.msk [tilespmem:v11+s13+$0x0], $0xffff;
	v11 =	vor.u32 v18, v7  }
0x2c8: {  	v11 =	vor.u32 v9, v11;
	_ =	sdelay $0x3  }
0x2c9: {  	v20 =	vor.u32 s23, v13;
	v13 =	vld [tilespmem:$0x1FD80];
	[tilespmem:v5+s16+$0x0] =	vst.idx.msk $0xffff, v3  }
0x2ca: {  	v5 =	vor.u32 v29, v1;
	v3 =	vld.idx.msk [tilespmem:v11+s13+$0x0], $0xffff;
	v11 =	vor.u32 v20, v7  }
0x2cb: {  	v11 =	vor.u32 v9, v11;
	_ =	sdelay $0x3  }
0x2cc: {  	v22 =	vor.u32 s23, v13;
	v13 =	vld [tilespmem:$0x1FD90];
	[tilespmem:v5+s16+$0x0] =	vst.idx.msk $0xffff, v3  }
0x2cd: {  	v5 =	vor.u32 v0, v1;
	v3 =	vld.idx.msk [tilespmem:v11+s13+$0x0], $0xffff;
	v11 =	vor.u32 v22, v7  }
0x2ce: {  	v11 =	vor.u32 v9, v11;
	_ =	sdelay $0x3  }
0x2cf: {  	v24 =	vor.u32 s23, v13;
	v13 =	vld [tilespmem:$0x1FDA0];
	[tilespmem:v5+s16+$0x0] =	vst.idx.msk $0xffff, v3  }
0x2d0: {  	v5 =	vor.u32 v33, v1;
	v3 =	vld.idx.msk [tilespmem:v11+s13+$0x0], $0xffff;
	v11 =	vor.u32 v24, v7  }
0x2d1: {  	v11 =	vor.u32 v9, v11;
	_ =	sdelay $0x3  }
0x2d2: {  	v26 =	vor.u32 s23, v13;
	v13 =	vld [tilespmem:$0x1FDB0];
	[tilespmem:v5+s16+$0x0] =	vst.idx.msk $0xffff, v3  }
0x2d3: {  	v5 =	vor.u32 v35, v1;
	v3 =	vld.idx.msk [tilespmem:v11+s13+$0x0], $0xffff;
	v11 =	vor.u32 v26, v7  }
0x2d4: {  	v11 =	vor.u32 v9, v11;
	_ =	sdelay $0x3  }
0x2d5: {  	v28 =	vor.u32 s23, v13;
	v13 =	vld [tilespmem:$0x1FDC0];
	[tilespmem:v5+s16+$0x0] =	vst.idx.msk $0xffff, v3  }
0x2d6: {  	v5 =	vor.u32 v37, v1;
	v3 =	vld.idx.msk [tilespmem:v11+s13+$0x0], $0xffff;
	v11 =	vor.u32 v28, v7  }
0x2d7: {  	v11 =	vor.u32 v9, v11;
	_ =	sdelay $0x3  }
0x2d8: {  	v30 =	vor.u32 s23, v13;
	v13 =	vld [tilespmem:$0x1FDD0];
	[tilespmem:v5+s16+$0x0] =	vst.idx.msk $0xffff, v3  }
0x2d9: {  	v5 =	vor.u32 v39, v1;
	v3 =	vld.idx.msk [tilespmem:v11+s13+$0x0], $0xffff;
	v11 =	vor.u32 v30, v7  }
0x2da: {  	v11 =	vor.u32 v9, v11;
	_ =	sdelay $0x3  }
0x2db: {  	v32 =	vor.u32 s23, v13;
	v13 =	vld [tilespmem:$0x1FDE0];
	[tilespmem:v5+s16+$0x0] =	vst.idx.msk $0xffff, v3  }
0x2dc: {  	v5 =	vor.u32 v41, v1;
	v3 =	vld.idx.msk [tilespmem:v11+s13+$0x0], $0xffff;
	v11 =	vor.u32 v32, v7  }
0x2dd: {  	v11 =	vor.u32 v9, v11;
	_ =	sdelay $0x3  }
0x2de: {  	v34 =	vor.u32 s23, v13;
	v13 =	vld [tilespmem:$0x1FDF0];
	[tilespmem:v5+s16+$0x0] =	vst.idx.msk $0xffff, v3  }
0x2df: {  	v5 =	vor.u32 v43, v1;
	v3 =	vld.idx.msk [tilespmem:v11+s13+$0x0], $0xffff;
	v11 =	vor.u32 v34, v7  }
0x2e0: {  	v11 =	vor.u32 v9, v11;
	_ =	sdelay $0x3  }
0x2e1: {  	v36 =	vor.u32 s23, v13;
	v13 =	vld [tilespmem:$0x1FE00];
	[tilespmem:v5+s16+$0x0] =	vst.idx.msk $0xffff, v3  }
0x2e2: {  	v5 =	vor.u32 v45, v1;
	v3 =	vld.idx.msk [tilespmem:v11+s13+$0x0], $0xffff;
	v11 =	vor.u32 v36, v7  }
0x2e3: {  	v11 =	vor.u32 v9, v11;
	_ =	sdelay $0x3  }
0x2e4: {  	v38 =	vor.u32 s23, v13;
	v13 =	vld [tilespmem:$0x1FE10];
	[tilespmem:v5+s16+$0x0] =	vst.idx.msk $0xffff, v3  }
0x2e5: {  	v5 =	vor.u32 v47, v1;
	v3 =	vld.idx.msk [tilespmem:v11+s13+$0x0], $0xffff;
	v11 =	vor.u32 v38, v7  }
0x2e6: {  	v11 =	vor.u32 v9, v11;
	_ =	sdelay $0x3  }
0x2e7: {  	v40 =	vor.u32 s23, v13;
	v13 =	vld [tilespmem:$0x1FE20];
	[tilespmem:v5+s16+$0x0] =	vst.idx.msk $0xffff, v3  }
0x2e8: {  	v5 =	vor.u32 v49, v1;
	v3 =	vld.idx.msk [tilespmem:v11+s13+$0x0], $0xffff;
	v11 =	vor.u32 v40, v7  }
0x2e9: {  	v11 =	vor.u32 v9, v11;
	_ =	sdelay $0x3  }
0x2ea: {  	v42 =	vor.u32 s23, v13;
	v13 =	vld [tilespmem:$0x1FE30];
	[tilespmem:v5+s16+$0x0] =	vst.idx.msk $0xffff, v3  }
0x2eb: {  	v5 =	vor.u32 v51, v1;
	v3 =	vld.idx.msk [tilespmem:v11+s13+$0x0], $0xffff;
	v11 =	vor.u32 v42, v7  }
0x2ec: {  	v11 =	vor.u32 v9, v11;
	_ =	sdelay $0x3  }
0x2ed: {  	v44 =	vor.u32 s23, v13;
	v13 =	vld [tilespmem:$0x1FE40];
	[tilespmem:v5+s16+$0x0] =	vst.idx.msk $0xffff, v3  }
0x2ee: {  	v5 =	vor.u32 v53, v1;
	v3 =	vld.idx.msk [tilespmem:v11+s13+$0x0], $0xffff;
	v11 =	vor.u32 v44, v7  }
0x2ef: {  	v11 =	vor.u32 v9, v11;
	_ =	sdelay $0x3  }
0x2f0: {  	v46 =	vor.u32 s23, v13;
	v13 =	vld [tilespmem:$0x1FE50];
	[tilespmem:v5+s16+$0x0] =	vst.idx.msk $0xffff, v3  }
0x2f1: {  	v5 =	vor.u32 v55, v1;
	v3 =	vld.idx.msk [tilespmem:v11+s13+$0x0], $0xffff;
	v11 =	vor.u32 v46, v7  }
0x2f2: {  	v11 =	vor.u32 v9, v11;
	_ =	sdelay $0x3  }
0x2f3: {  	v48 =	vor.u32 s23, v13;
	v13 =	vld [tilespmem:$0x1FE60];
	[tilespmem:v5+s16+$0x0] =	vst.idx.msk $0xffff, v3  }
0x2f4: {  	v5 =	vor.u32 v57, v1;
	v3 =	vld.idx.msk [tilespmem:v11+s13+$0x0], $0xffff;
	v11 =	vor.u32 v48, v7  }
0x2f5: {  	v11 =	vor.u32 v9, v11;
	_ =	sdelay $0x3  }
0x2f6: {  	v50 =	vor.u32 s23, v13;
	[tilespmem:v5+s16+$0x0] =	vst.idx.msk $0xffff, v3  }
0x2f7: {  	v5 =	vor.u32 v59, v1;
	v3 =	vld.idx.msk [tilespmem:v11+s13+$0x0], $0xffff;
	v11 =	vor.u32 v50, v7  }
0x2f8: {  	v11 =	vor.u32 v9, v11;
	_ =	sdelay $0x2  }
0x2f9: {  	v13 =	vld [tilespmem:$0x1FE80]  }
0x2fa: {  	[tilespmem:v5+s16+$0x0] =	vst.idx.msk $0xffff, v3  }
0x2fb: {  	v5 =	vor.u32 v31, v1;
	v3 =	vld.idx.msk [tilespmem:v11+s13+$0x0], $0xffff;
	_ =	sdelay $0x2  }
0x2fc: {  	v52 =	vor.u32 s23, v13  }
0x2fd: {  	v11 =	vor.u32 v52, v7  }
0x2fe: {  	v11 =	vor.u32 v9, v11;
	[tilespmem:v5+s16+$0x0] =	vst.idx.msk $0xffff, v3;
	v5 =	vld [tilespmem:$0x1FF00];
	_ =	sdelay $0x2  }
0x2ff: {  	v13 =	vld [tilespmem:$0x1FEB0];
	_ =	sdelay $0x1  }
0x300: {  	v3 =	vld.idx.msk [tilespmem:v11+s13+$0x0], $0xffff;
	v5 =	vor.u32 v5, v1;
	_ =	sdelay $0x2  }
0x301: {  	v54 =	vor.u32 s23, v13  }
0x302: {  	v11 =	vor.u32 v54, v7  }
0x303: {  	v11 =	vor.u32 v9, v11;
	[tilespmem:v5+s16+$0x0] =	vst.idx.msk $0xffff, v3;
	v5 =	vld [tilespmem:$0x1FF10];
	_ =	sdelay $0x2  }
0x304: {  	v13 =	vld [tilespmem:$0x1FED0];
	_ =	sdelay $0x1  }
0x305: {  	v3 =	vld.idx.msk [tilespmem:v11+s13+$0x0], $0xffff;
	v5 =	vor.u32 v5, v1;
	_ =	sdelay $0x2  }
0x306: {  	v56 =	vor.u32 s23, v13  }
0x307: {  	v11 =	vor.u32 v56, v7  }
0x308: {  	v11 =	vor.u32 v9, v11;
	[tilespmem:v5+s16+$0x0] =	vst.idx.msk $0xffff, v3;
	v5 =	vld [tilespmem:$0x1FE70];
	_ =	sdelay $0x2  }
0x309: {  	v13 =	vld [tilespmem:$0x1FC60];
	_ =	sdelay $0x1  }
0x30a: {  	v3 =	vld.idx.msk [tilespmem:v11+s13+$0x0], $0xffff;
	v5 =	vor.u32 v5, v1;
	_ =	sdelay $0x2  }
0x30b: {  	v58 =	vor.u32 s23, v13  }
0x30c: {  	v11 =	vor.u32 v58, v7  }
0x30d: {  	v11 =	vor.u32 v9, v11;
	[tilespmem:v5+s16+$0x0] =	vst.idx.msk $0xffff, v3;
	v5 =	vld [tilespmem:$0x1FE90];
	_ =	sdelay $0x2  }
0x30e: {  	v13 =	vld [tilespmem:$0x1FC70];
	_ =	sdelay $0x1  }
0x30f: {  	v3 =	vld.idx.msk [tilespmem:v11+s13+$0x0], $0xffff;
	v5 =	vor.u32 v5, v1;
	_ =	sdelay $0x2  }
0x310: {  	v60 =	vor.u32 s23, v13  }
0x311: {  	v13 =	vld [tilespmem:$0x1FC80];
	v11 =	vor.u32 v60, v7  }
0x312: {  	v11 =	vor.u32 v9, v11;
	[tilespmem:v5+s16+$0x0] =	vst.idx.msk $0xffff, v3;
	v3 =	vld [tilespmem:$0x1FEA0];
	_ =	sdelay $0x3  }
0x313: {  	v62 =	vor.u32 s23, v13  }
0x314: {  	v13 =	vld.idx.msk [tilespmem:v11+s13+$0x0], $0xffff;
	v11 =	vor.u32 v3, v1;
	v3 =	vor.u32 v62, v7  }
0x315: {  	v5 =	vor.u32 v9, v3;
	_ =	sdelay $0x3  }
0x316: {  	v3 =	vld [tilespmem:$0x1FC90];
	[tilespmem:v11+s16+$0x0] =	vst.idx.msk $0xffff, v13  }
0x317: {  	v13 =	vld.idx.msk [tilespmem:v5+s13+$0x0], $0xffff  }
0x318: {  	v5 =	vld [tilespmem:$0x1FEC0];
	_ =	sdelay $0x3  }
0x319: {  	v3 =	vor.u32 s23, v3  }
0x31a: {  	v11 =	vor.u32 v5, v1;
	v5 =	vor.u32 v3, v7  }
0x31b: {  	v5 =	vor.u32 v9, v5;
	_ =	sdelay $0x3  }
0x31c: {  	[tilespmem:v11+s16+$0x0] =	vst.idx.msk $0xffff, v13  }
0x31d: {  	v13 =	vld.idx.msk [tilespmem:v5+s13+$0x0], $0xffff  }
0x31e: {  	v5 =	vld [tilespmem:$0x1FEE0];
	_ =	sdelay $0x4  }
0x31f: {  	v11 =	vor.u32 v5, v1;
	v5 =	vld [tilespmem:$0x1FCA0];
	_ =	sdelay $0x4  }
0x320: {  	v5 =	vor.u32 s23, v5  }
0x321: {  	s31 =	simm.s32 $0x1;
	v7 =	vor.u32 v5, v7  }
0x322: {  	v63 =	vlaneseq.u32;
	s24 =	simm.s32 $0x2;
	v23 =	vld [tilespmem:$0x1FEF0];
	[tilespmem:v11+s16+$0x0] =	vst.idx.msk $0xffff, v13;
	v11 =	vadd.s32 s31, v15;
	v9 =	vor.u32 v9, v7  }
.LBB2_7:
0x323: {  	_ =	sdelay $0x2  }
0x324: {  	v7 =	vand.u32 $0x18, v11  }
0x325: {  	v13 =	vld.idx.msk [tilespmem:v9+s13+$0x0], $0xffff;
	v9 =	vand.u32 $0x7, v11;
	v1 =	vor.u32 v23, v1;
	v15 =	vor.u32 v2, v7  }
0x326: {  	v15 =	vor.u32 v9, v15;
	_ =	sdelay $0x1  }
0x327: {  	v11 =	vshll.u32 v11, $0x9  }
0x328: {  	v11 =	vand.u32 $0x3E00, v11  }
0x329: {  	[tilespmem:v1+s16+$0x0] =	vst.idx.msk $0xffff, v13;
	v1 =	vor.u32 v4, v11  }
0x32a: {  	v11 =	vor.u32 v63, v1;
	v13 =	vld.idx.msk [tilespmem:v15+s13+$0x0], $0xffff;
	v15 =	vor.u32 v6, v7  }
0x32b: {  	v15 =	vor.u32 v9, v15;
	_ =	sdelay $0x3  }
0x32c: {  	[tilespmem:v11+s16+$0x0] =	vst.idx.msk $0xffff, v13  }
0x32d: {  	v13 =	vor.u32 v17, v1;
	v11 =	vld.idx.msk [tilespmem:v15+s13+$0x0], $0xffff;
	v15 =	vor.u32 v8, v7  }
0x32e: {  	v15 =	vor.u32 v9, v15;
	_ =	sdelay $0x3  }
0x32f: {  	[tilespmem:v13+s16+$0x0] =	vst.idx.msk $0xffff, v11  }
0x330: {  	v13 =	vor.u32 v19, v1;
	v11 =	vld.idx.msk [tilespmem:v15+s13+$0x0], $0xffff;
	v15 =	vor.u32 v10, v7  }
0x331: {  	v15 =	vor.u32 v9, v15;
	_ =	sdelay $0x3  }
0x332: {  	[tilespmem:v13+s16+$0x0] =	vst.idx.msk $0xffff, v11  }
0x333: {  	v13 =	vor.u32 v21, v1;
	v11 =	vld.idx.msk [tilespmem:v15+s13+$0x0], $0xffff;
	v15 =	vor.u32 v12, v7  }
0x334: {  	v15 =	vor.u32 v9, v15;
	_ =	sdelay $0x3  }
0x335: {  	[tilespmem:v13+s16+$0x0] =	vst.idx.msk $0xffff, v11  }
0x336: {  	v13 =	vor.u32 v61, v1;
	v11 =	vld.idx.msk [tilespmem:v15+s13+$0x0], $0xffff;
	v15 =	vor.u32 v14, v7  }
0x337: {  	v15 =	vor.u32 v9, v15;
	_ =	sdelay $0x3  }
0x338: {  	[tilespmem:v13+s16+$0x0] =	vst.idx.msk $0xffff, v11  }
0x339: {  	v13 =	vor.u32 v25, v1;
	v11 =	vld.idx.msk [tilespmem:v15+s13+$0x0], $0xffff;
	v15 =	vor.u32 v16, v7  }
0x33a: {  	v15 =	vor.u32 v9, v15;
	_ =	sdelay $0x3  }
0x33b: {  	[tilespmem:v13+s16+$0x0] =	vst.idx.msk $0xffff, v11  }
0x33c: {  	v13 =	vor.u32 v27, v1;
	v11 =	vld.idx.msk [tilespmem:v15+s13+$0x0], $0xffff;
	v15 =	vor.u32 v18, v7  }
0x33d: {  	v15 =	vor.u32 v9, v15;
	_ =	sdelay $0x3  }
0x33e: {  	[tilespmem:v13+s16+$0x0] =	vst.idx.msk $0xffff, v11  }
0x33f: {  	v13 =	vor.u32 v29, v1;
	v11 =	vld.idx.msk [tilespmem:v15+s13+$0x0], $0xffff;
	v15 =	vor.u32 v20, v7  }
0x340: {  	v15 =	vor.u32 v9, v15;
	_ =	sdelay $0x3  }
0x341: {  	[tilespmem:v13+s16+$0x0] =	vst.idx.msk $0xffff, v11  }
0x342: {  	v13 =	vor.u32 v0, v1;
	v11 =	vld.idx.msk [tilespmem:v15+s13+$0x0], $0xffff;
	v15 =	vor.u32 v22, v7  }
0x343: {  	v15 =	vor.u32 v9, v15;
	_ =	sdelay $0x3  }
0x344: {  	[tilespmem:v13+s16+$0x0] =	vst.idx.msk $0xffff, v11  }
0x345: {  	v13 =	vor.u32 v33, v1;
	v11 =	vld.idx.msk [tilespmem:v15+s13+$0x0], $0xffff;
	v15 =	vor.u32 v24, v7  }
0x346: {  	v15 =	vor.u32 v9, v15;
	_ =	sdelay $0x3  }
0x347: {  	[tilespmem:v13+s16+$0x0] =	vst.idx.msk $0xffff, v11  }
0x348: {  	v13 =	vor.u32 v35, v1;
	v11 =	vld.idx.msk [tilespmem:v15+s13+$0x0], $0xffff;
	v15 =	vor.u32 v26, v7  }
0x349: {  	v15 =	vor.u32 v9, v15;
	_ =	sdelay $0x3  }
0x34a: {  	[tilespmem:v13+s16+$0x0] =	vst.idx.msk $0xffff, v11  }
0x34b: {  	v13 =	vor.u32 v37, v1;
	v11 =	vld.idx.msk [tilespmem:v15+s13+$0x0], $0xffff;
	v15 =	vor.u32 v28, v7  }
0x34c: {  	v15 =	vor.u32 v9, v15;
	_ =	sdelay $0x3  }
0x34d: {  	[tilespmem:v13+s16+$0x0] =	vst.idx.msk $0xffff, v11  }
0x34e: {  	v13 =	vor.u32 v39, v1;
	v11 =	vld.idx.msk [tilespmem:v15+s13+$0x0], $0xffff;
	v15 =	vor.u32 v30, v7  }
0x34f: {  	v15 =	vor.u32 v9, v15;
	_ =	sdelay $0x3  }
0x350: {  	[tilespmem:v13+s16+$0x0] =	vst.idx.msk $0xffff, v11  }
0x351: {  	v13 =	vor.u32 v41, v1;
	v11 =	vld.idx.msk [tilespmem:v15+s13+$0x0], $0xffff;
	v15 =	vor.u32 v32, v7  }
0x352: {  	v15 =	vor.u32 v9, v15;
	_ =	sdelay $0x3  }
0x353: {  	[tilespmem:v13+s16+$0x0] =	vst.idx.msk $0xffff, v11  }
0x354: {  	v13 =	vor.u32 v43, v1;
	v11 =	vld.idx.msk [tilespmem:v15+s13+$0x0], $0xffff;
	v15 =	vor.u32 v34, v7  }
0x355: {  	v15 =	vor.u32 v9, v15;
	_ =	sdelay $0x3  }
0x356: {  	[tilespmem:v13+s16+$0x0] =	vst.idx.msk $0xffff, v11  }
0x357: {  	v13 =	vor.u32 v45, v1;
	v11 =	vld.idx.msk [tilespmem:v15+s13+$0x0], $0xffff;
	v15 =	vor.u32 v36, v7  }
0x358: {  	v15 =	vor.u32 v9, v15;
	_ =	sdelay $0x3  }
0x359: {  	[tilespmem:v13+s16+$0x0] =	vst.idx.msk $0xffff, v11  }
0x35a: {  	v13 =	vor.u32 v47, v1;
	v11 =	vld.idx.msk [tilespmem:v15+s13+$0x0], $0xffff;
	v15 =	vor.u32 v38, v7  }
0x35b: {  	v15 =	vor.u32 v9, v15;
	_ =	sdelay $0x3  }
0x35c: {  	[tilespmem:v13+s16+$0x0] =	vst.idx.msk $0xffff, v11  }
0x35d: {  	v13 =	vor.u32 v49, v1;
	v11 =	vld.idx.msk [tilespmem:v15+s13+$0x0], $0xffff;
	v15 =	vor.u32 v40, v7  }
0x35e: {  	v15 =	vor.u32 v9, v15;
	_ =	sdelay $0x3  }
0x35f: {  	[tilespmem:v13+s16+$0x0] =	vst.idx.msk $0xffff, v11  }
0x360: {  	v13 =	vor.u32 v51, v1;
	v11 =	vld.idx.msk [tilespmem:v15+s13+$0x0], $0xffff;
	v15 =	vor.u32 v42, v7  }
0x361: {  	v15 =	vor.u32 v9, v15;
	_ =	sdelay $0x3  }
0x362: {  	[tilespmem:v13+s16+$0x0] =	vst.idx.msk $0xffff, v11  }
0x363: {  	v13 =	vor.u32 v53, v1;
	v11 =	vld.idx.msk [tilespmem:v15+s13+$0x0], $0xffff;
	v15 =	vor.u32 v44, v7  }
0x364: {  	v15 =	vor.u32 v9, v15;
	_ =	sdelay $0x3  }
0x365: {  	[tilespmem:v13+s16+$0x0] =	vst.idx.msk $0xffff, v11  }
0x366: {  	v13 =	vor.u32 v55, v1;
	v11 =	vld.idx.msk [tilespmem:v15+s13+$0x0], $0xffff;
	v15 =	vor.u32 v46, v7  }
0x367: {  	v15 =	vor.u32 v9, v15;
	_ =	sdelay $0x3  }
0x368: {  	[tilespmem:v13+s16+$0x0] =	vst.idx.msk $0xffff, v11  }
0x369: {  	v13 =	vor.u32 v57, v1;
	v11 =	vld.idx.msk [tilespmem:v15+s13+$0x0], $0xffff;
	v15 =	vor.u32 v48, v7  }
0x36a: {  	v15 =	vor.u32 v9, v15;
	_ =	sdelay $0x3  }
0x36b: {  	[tilespmem:v13+s16+$0x0] =	vst.idx.msk $0xffff, v11  }
0x36c: {  	v13 =	vor.u32 v59, v1;
	v11 =	vld.idx.msk [tilespmem:v15+s13+$0x0], $0xffff;
	v15 =	vor.u32 v50, v7  }
0x36d: {  	v15 =	vor.u32 v9, v15;
	_ =	sdelay $0x3  }
0x36e: {  	[tilespmem:v13+s16+$0x0] =	vst.idx.msk $0xffff, v11  }
0x36f: {  	v13 =	vor.u32 v31, v1;
	v11 =	vld.idx.msk [tilespmem:v15+s13+$0x0], $0xffff;
	_ =	sdelay $0x3  }
0x370: {  	v15 =	vor.u32 v52, v7  }
0x371: {  	v15 =	vor.u32 v9, v15;
	[tilespmem:v13+s16+$0x0] =	vst.idx.msk $0xffff, v11;
	v13 =	vld [tilespmem:$0x1FF00];
	_ =	sdelay $0x4  }
0x372: {  	v11 =	vld.idx.msk [tilespmem:v15+s13+$0x0], $0xffff;
	v13 =	vor.u32 v13, v1;
	_ =	sdelay $0x3  }
0x373: {  	v15 =	vor.u32 v54, v7  }
0x374: {  	v15 =	vor.u32 v9, v15;
	[tilespmem:v13+s16+$0x0] =	vst.idx.msk $0xffff, v11;
	v13 =	vld [tilespmem:$0x1FF10];
	_ =	sdelay $0x4  }
0x375: {  	v11 =	vld.idx.msk [tilespmem:v15+s13+$0x0], $0xffff;
	v13 =	vor.u32 v13, v1;
	_ =	sdelay $0x3  }
0x376: {  	v15 =	vor.u32 v56, v7  }
0x377: {  	v15 =	vor.u32 v9, v15;
	[tilespmem:v13+s16+$0x0] =	vst.idx.msk $0xffff, v11;
	v13 =	vld [tilespmem:$0x1FE70];
	_ =	sdelay $0x4  }
0x378: {  	v11 =	vld.idx.msk [tilespmem:v15+s13+$0x0], $0xffff;
	v13 =	vor.u32 v13, v1;
	_ =	sdelay $0x3  }
0x379: {  	v15 =	vor.u32 v58, v7  }
0x37a: {  	v15 =	vor.u32 v9, v15;
	[tilespmem:v13+s16+$0x0] =	vst.idx.msk $0xffff, v11;
	v13 =	vld [tilespmem:$0x1FE90];
	_ =	sdelay $0x4  }
0x37b: {  	v11 =	vld.idx.msk [tilespmem:v15+s13+$0x0], $0xffff;
	v13 =	vor.u32 v13, v1;
	_ =	sdelay $0x3  }
0x37c: {  	v15 =	vor.u32 v60, v7  }
0x37d: {  	v15 =	vor.u32 v9, v15;
	[tilespmem:v13+s16+$0x0] =	vst.idx.msk $0xffff, v11;
	v13 =	vld [tilespmem:$0x1FEA0];
	_ =	sdelay $0x4  }
0x37e: {  	v11 =	vld.idx.msk [tilespmem:v15+s13+$0x0], $0xffff;
	v13 =	vor.u32 v13, v1;
	_ =	sdelay $0x3  }
0x37f: {  	v15 =	vor.u32 v62, v7  }
0x380: {  	v15 =	vor.u32 v9, v15;
	[tilespmem:v13+s16+$0x0] =	vst.idx.msk $0xffff, v11;
	v13 =	vld [tilespmem:$0x1FEC0];
	_ =	sdelay $0x4  }
0x381: {  	v11 =	vld.idx.msk [tilespmem:v15+s13+$0x0], $0xffff;
	v13 =	vor.u32 v13, v1;
	_ =	sdelay $0x3  }
0x382: {  	v15 =	vor.u32 v3, v7  }
0x383: {  	v15 =	vor.u32 v9, v15;
	[tilespmem:v13+s16+$0x0] =	vst.idx.msk $0xffff, v11;
	v11 =	vld [tilespmem:$0x1FEE0];
	_ =	sdelay $0x4  }
0x384: {  	p0 =	sne.s32 s24, $0x1F;
	v13 =	vld.idx.msk [tilespmem:v15+s13+$0x0], $0xffff;
	v15 =	vor.u32 v11, v1  }
.Ltmp2:
0x385: {  	_ = 	snop;
	(pc) =	sbr.rel @p0 .LBB2_7-.Ltmp2, $3  }
0x386: {  	_ =	sdelay $0x1  }
0x387: {  	v7 =	vor.u32 v5, v7  }
0x388: {  	v9 =	vor.u32 v9, v7;
	v11 =	vadd.s32 s24, v63;
	s24 =	sadd.s32 $0x1, s24;
	[tilespmem:v15+s16+$0x0] =	vst.idx.msk $0xffff, v13  }
0x389: {  	_ =	sdelay $0x2  }
0x38a: {  	v7 =	vand.u32 $0x18, v11  }
0x38b: {  	v13 =	vld.idx.msk [tilespmem:v9+s13+$0x0], $0xffff;
	v9 =	vand.u32 $0x7, v11;
	v1 =	vor.u32 v23, v1;
	v2 =	vor.u32 v2, v7  }
0x38c: {  	v2 =	vor.u32 v9, v2;
	_ =	sdelay $0x1  }
0x38d: {  	v11 =	vshll.u32 v11, $0x9  }
0x38e: {  	v11 =	vand.u32 $0x3E00, v11  }
0x38f: {  	[tilespmem:v1+s16+$0x0] =	vst.idx.msk $0xffff, v13;
	v1 =	vor.u32 v4, v11  }
0x390: {  	v6 =	vor.u32 v6, v7;
	v4 =	vor.u32 v63, v1;
	v2 =	vld.idx.msk [tilespmem:v2+s13+$0x0], $0xffff  }
0x391: {  	v6 =	vor.u32 v9, v6;
	_ =	sdelay $0x3  }
0x392: {  	[tilespmem:v4+s16+$0x0] =	vst.idx.msk $0xffff, v2  }
0x393: {  	v11 =	vor.u32 v8, v7;
	v63 =	vor.u32 v17, v1;
	v2 =	vld.idx.msk [tilespmem:v6+s13+$0x0], $0xffff  }
0x394: {  	v6 =	vor.u32 v9, v11;
	_ =	sdelay $0x3  }
0x395: {  	[tilespmem:v63+s16+$0x0] =	vst.idx.msk $0xffff, v2  }
0x396: {  	v10 =	vor.u32 v10, v7;
	v63 =	vor.u32 v19, v1;
	v2 =	vld.idx.msk [tilespmem:v6+s13+$0x0], $0xffff  }
0x397: {  	v6 =	vor.u32 v9, v10;
	_ =	sdelay $0x3  }
0x398: {  	[tilespmem:v63+s16+$0x0] =	vst.idx.msk $0xffff, v2  }
0x399: {  	v11 =	vor.u32 v21, v1;
	v63 =	vor.u32 v12, v7;
	v2 =	vld.idx.msk [tilespmem:v6+s13+$0x0], $0xffff  }
0x39a: {  	v6 =	vor.u32 v9, v63;
	_ =	sdelay $0x3  }
0x39b: {  	[tilespmem:v11+s16+$0x0] =	vst.idx.msk $0xffff, v2  }
0x39c: {  	v10 =	vor.u32 v61, v1;
	v11 =	vor.u32 v14, v7;
	v2 =	vld.idx.msk [tilespmem:v6+s13+$0x0], $0xffff  }
0x39d: {  	v6 =	vor.u32 v9, v11;
	_ =	sdelay $0x3  }
0x39e: {  	[tilespmem:v10+s16+$0x0] =	vst.idx.msk $0xffff, v2  }
0x39f: {  	v63 =	vor.u32 v25, v1;
	v10 =	vor.u32 v16, v7;
	v2 =	vld.idx.msk [tilespmem:v6+s13+$0x0], $0xffff  }
0x3a0: {  	v6 =	vor.u32 v9, v10;
	_ =	sdelay $0x3  }
0x3a1: {  	[tilespmem:v63+s16+$0x0] =	vst.idx.msk $0xffff, v2  }
0x3a2: {  	v11 =	vor.u32 v27, v1;
	v63 =	vor.u32 v18, v7;
	v2 =	vld.idx.msk [tilespmem:v6+s13+$0x0], $0xffff  }
0x3a3: {  	v6 =	vor.u32 v9, v63;
	_ =	sdelay $0x3  }
0x3a4: {  	[tilespmem:v11+s16+$0x0] =	vst.idx.msk $0xffff, v2  }
0x3a5: {  	v10 =	vor.u32 v29, v1;
	v11 =	vor.u32 v20, v7;
	v2 =	vld.idx.msk [tilespmem:v6+s13+$0x0], $0xffff  }
0x3a6: {  	v6 =	vor.u32 v9, v11;
	_ =	sdelay $0x3  }
0x3a7: {  	[tilespmem:v10+s16+$0x0] =	vst.idx.msk $0xffff, v2  }
0x3a8: {  	v63 =	vor.u32 v0, v1;
	v10 =	vor.u32 v22, v7;
	v2 =	vld.idx.msk [tilespmem:v6+s13+$0x0], $0xffff  }
0x3a9: {  	v6 =	vor.u32 v9, v10;
	_ =	sdelay $0x3  }
0x3aa: {  	[tilespmem:v63+s16+$0x0] =	vst.idx.msk $0xffff, v2  }
0x3ab: {  	v11 =	vor.u32 v33, v1;
	v63 =	vor.u32 v24, v7;
	v2 =	vld.idx.msk [tilespmem:v6+s13+$0x0], $0xffff  }
0x3ac: {  	v6 =	vor.u32 v9, v63;
	_ =	sdelay $0x3  }
0x3ad: {  	[tilespmem:v11+s16+$0x0] =	vst.idx.msk $0xffff, v2  }
0x3ae: {  	v10 =	vor.u32 v35, v1;
	v11 =	vor.u32 v26, v7;
	v2 =	vld.idx.msk [tilespmem:v6+s13+$0x0], $0xffff  }
0x3af: {  	v6 =	vor.u32 v9, v11;
	_ =	sdelay $0x3  }
0x3b0: {  	[tilespmem:v10+s16+$0x0] =	vst.idx.msk $0xffff, v2  }
0x3b1: {  	v63 =	vor.u32 v37, v1;
	v10 =	vor.u32 v28, v7;
	v2 =	vld.idx.msk [tilespmem:v6+s13+$0x0], $0xffff  }
0x3b2: {  	v6 =	vor.u32 v9, v10;
	_ =	sdelay $0x3  }
0x3b3: {  	[tilespmem:v63+s16+$0x0] =	vst.idx.msk $0xffff, v2  }
0x3b4: {  	v11 =	vor.u32 v39, v1;
	v63 =	vor.u32 v30, v7;
	v2 =	vld.idx.msk [tilespmem:v6+s13+$0x0], $0xffff  }
0x3b5: {  	v6 =	vor.u32 v9, v63;
	_ =	sdelay $0x3  }
0x3b6: {  	[tilespmem:v11+s16+$0x0] =	vst.idx.msk $0xffff, v2  }
0x3b7: {  	v10 =	vor.u32 v41, v1;
	v11 =	vor.u32 v32, v7;
	v2 =	vld.idx.msk [tilespmem:v6+s13+$0x0], $0xffff  }
0x3b8: {  	v6 =	vor.u32 v9, v11;
	_ =	sdelay $0x3  }
0x3b9: {  	[tilespmem:v10+s16+$0x0] =	vst.idx.msk $0xffff, v2  }
0x3ba: {  	v34 =	vor.u32 v34, v7;
	v32 =	vor.u32 v43, v1;
	v2 =	vld.idx.msk [tilespmem:v6+s13+$0x0], $0xffff  }
0x3bb: {  	v6 =	vor.u32 v9, v34;
	_ =	sdelay $0x3  }
0x3bc: {  	[tilespmem:v32+s16+$0x0] =	vst.idx.msk $0xffff, v2  }
0x3bd: {  	v63 =	vor.u32 v45, v1;
	v10 =	vor.u32 v36, v7;
	v2 =	vld.idx.msk [tilespmem:v6+s13+$0x0], $0xffff  }
0x3be: {  	v6 =	vor.u32 v9, v10;
	_ =	sdelay $0x3  }
0x3bf: {  	[tilespmem:v63+s16+$0x0] =	vst.idx.msk $0xffff, v2  }
0x3c0: {  	v11 =	vor.u32 v47, v1;
	v32 =	vor.u32 v38, v7;
	v2 =	vld.idx.msk [tilespmem:v6+s13+$0x0], $0xffff  }
0x3c1: {  	v6 =	vor.u32 v9, v32;
	_ =	sdelay $0x3  }
0x3c2: {  	[tilespmem:v11+s16+$0x0] =	vst.idx.msk $0xffff, v2  }
0x3c3: {  	v36 =	vor.u32 v40, v7;
	v34 =	vor.u32 v49, v1;
	v2 =	vld.idx.msk [tilespmem:v6+s13+$0x0], $0xffff  }
0x3c4: {  	v6 =	vor.u32 v9, v36;
	_ =	sdelay $0x3  }
0x3c5: {  	[tilespmem:v34+s16+$0x0] =	vst.idx.msk $0xffff, v2  }
0x3c6: {  	v40 =	vor.u32 v42, v7;
	v38 =	vor.u32 v51, v1;
	v2 =	vld.idx.msk [tilespmem:v6+s13+$0x0], $0xffff  }
0x3c7: {  	v6 =	vor.u32 v9, v40;
	_ =	sdelay $0x3  }
0x3c8: {  	[tilespmem:v38+s16+$0x0] =	vst.idx.msk $0xffff, v2  }
0x3c9: {  	v44 =	vor.u32 v44, v7;
	v42 =	vor.u32 v53, v1;
	v2 =	vld.idx.msk [tilespmem:v6+s13+$0x0], $0xffff  }
0x3ca: {  	v6 =	vor.u32 v9, v44;
	_ =	sdelay $0x3  }
0x3cb: {  	[tilespmem:v42+s16+$0x0] =	vst.idx.msk $0xffff, v2  }
0x3cc: {  	v10 =	vor.u32 v46, v7;
	v63 =	vor.u32 v55, v1;
	v2 =	vld.idx.msk [tilespmem:v6+s13+$0x0], $0xffff  }
0x3cd: {  	v6 =	vor.u32 v9, v10;
	_ =	sdelay $0x3  }
0x3ce: {  	[tilespmem:v63+s16+$0x0] =	vst.idx.msk $0xffff, v2  }
0x3cf: {  	v32 =	vor.u32 v48, v7;
	v11 =	vor.u32 v57, v1;
	v2 =	vld.idx.msk [tilespmem:v6+s13+$0x0], $0xffff  }
0x3d0: {  	v6 =	vor.u32 v9, v32;
	_ =	sdelay $0x3  }
0x3d1: {  	[tilespmem:v11+s16+$0x0] =	vst.idx.msk $0xffff, v2  }
0x3d2: {  	v36 =	vor.u32 v50, v7;
	v34 =	vor.u32 v59, v1;
	v2 =	vld.idx.msk [tilespmem:v6+s13+$0x0], $0xffff  }
0x3d3: {  	v6 =	vor.u32 v9, v36;
	_ =	sdelay $0x3  }
0x3d4: {  	[tilespmem:v34+s16+$0x0] =	vst.idx.msk $0xffff, v2  }
0x3d5: {  	v40 =	vor.u32 v52, v7;
	v38 =	vor.u32 v31, v1;
	v2 =	vld.idx.msk [tilespmem:v6+s13+$0x0], $0xffff  }
0x3d6: {  	v42 =	vld [tilespmem:$0x1FF00];
	v6 =	vor.u32 v9, v40;
	_ =	sdelay $0x3  }
0x3d7: {  	[tilespmem:v38+s16+$0x0] =	vst.idx.msk $0xffff, v2  }
0x3d8: {  	v44 =	vor.u32 v54, v7;
	v4 =	vor.u32 v42, v1;
	v2 =	vld.idx.msk [tilespmem:v6+s13+$0x0], $0xffff  }
0x3d9: {  	v46 =	vld [tilespmem:$0x1FF10];
	v6 =	vor.u32 v9, v44;
	_ =	sdelay $0x3  }
0x3da: {  	[tilespmem:v4+s16+$0x0] =	vst.idx.msk $0xffff, v2  }
0x3db: {  	v48 =	vor.u32 v56, v7;
	v4 =	vor.u32 v46, v1;
	v2 =	vld.idx.msk [tilespmem:v6+s13+$0x0], $0xffff  }
0x3dc: {  	v50 =	vld [tilespmem:$0x1FE70];
	v6 =	vor.u32 v9, v48;
	_ =	sdelay $0x3  }
0x3dd: {  	[tilespmem:v4+s16+$0x0] =	vst.idx.msk $0xffff, v2  }
0x3de: {  	v52 =	vor.u32 v58, v7;
	v4 =	vor.u32 v50, v1;
	v2 =	vld.idx.msk [tilespmem:v6+s13+$0x0], $0xffff  }
0x3df: {  	v54 =	vld [tilespmem:$0x1FE90];
	v6 =	vor.u32 v9, v52;
	_ =	sdelay $0x3  }
0x3e0: {  	[tilespmem:v4+s16+$0x0] =	vst.idx.msk $0xffff, v2  }
0x3e1: {  	v56 =	vor.u32 v60, v7;
	v4 =	vor.u32 v54, v1;
	v2 =	vld.idx.msk [tilespmem:v6+s13+$0x0], $0xffff  }
0x3e2: {  	v58 =	vld [tilespmem:$0x1FEA0];
	v6 =	vor.u32 v9, v56;
	_ =	sdelay $0x3  }
0x3e3: {  	[tilespmem:v4+s16+$0x0] =	vst.idx.msk $0xffff, v2  }
0x3e4: {  	v60 =	vor.u32 v62, v7;
	v4 =	vor.u32 v58, v1;
	v2 =	vld.idx.msk [tilespmem:v6+s13+$0x0], $0xffff  }
0x3e5: {  	v62 =	vld [tilespmem:$0x1FEC0];
	v6 =	vor.u32 v9, v60;
	_ =	sdelay $0x3  }
0x3e6: {  	[tilespmem:v4+s16+$0x0] =	vst.idx.msk $0xffff, v2  }
0x3e7: {  	v3 =	vor.u32 v3, v7;
	v4 =	vor.u32 v62, v1;
	v2 =	vld.idx.msk [tilespmem:v6+s13+$0x0], $0xffff  }
0x3e8: {  	v3 =	vor.u32 v9, v3;
	v63 =	vld [tilespmem:$0x1FEE0];
	_ =	sdelay $0x3  }
0x3e9: {  	[tilespmem:v4+s16+$0x0] =	vst.idx.msk $0xffff, v2  }
0x3ea: {  	v4 =	vor.u32 v63, v1;
	v2 =	vld.idx.msk [tilespmem:v3+s13+$0x0], $0xffff;
	v3 =	vor.u32 v5, v7  }
0x3eb: {  	v3 =	vor.u32 v9, v3;
	_ =	sdelay $0x3  }
0x3ec: {  	[tilespmem:v4+s16+$0x0] =	vst.idx.msk $0xffff, v2  }
0x3ed: {  	v1 =	vor.u32 v23, v1;
	v2 =	vld.idx.msk [tilespmem:v3+s13+$0x0], $0xffff;
	_ =	sdelay $0x1  }
0x3ee: {  	s24 =	sshll.u32 s22, $0x13;
	s25 =	sadd.s32 $0xE400, s23;
	p0 =	slt.s32 s22, $0x2F  }
0x3ef: {  	s30 =	sadd.s32 $0x1, s22;
	s24 =	sor.u32 s3, s24;
	s22 =	simm.s32 @!p0 $0x2F  }
0x3f0: {  	p0 =	sne.s32 s30, $0x32;
	s24 =	sshrl.u32 s24, $0x3;
	s22 =	sshll.u32 s22, $0x9  }
.Ltmp3:
0x3f1: {  	s24 =	sadd.s32 s4, s24;
	s22 =	sand.u32 $0x3FFFFE00, s22;
	[tilespmem:v1+s16+$0x0] =	vst.idx.msk $0xffff, v2;
	(pc) =	sbr.rel @p0 .LBB2_6-.Ltmp3, $4  }
0x3f2: {  	v13 =	vld [tilespmem:$0x1FCB0];
	[hbm4b:s24+s10] =	stream.strided.scatter [tilespmem:s25], [sflag:$0x2], $0x4000, s11, s10, $0x38  }
0x3f3: {  	s31 =	sadd.s32 $0x6400, s23;
	s22 =	sadd.s32 $0x400, s22  }
0x3f4: {  	[tilespmem:s31], [sflag:$0x1] =	stream.indirect.gather [hbm4b:s5+s10], $0x20, s22, s10, $0xb8;
	[tilespmem:$0x16400] =	vst v63  }
0x3f5: {  	v15 =	vlaneseq.u32;
	v54 =	vld [tilespmem:$0x1FCC0];
	s22 =	smov.u32 s30  }
0x3f6: {  	_ =	swait.ge [sflag:s15], $0x4000  }
0x3f7: {  	[sflag:s15] =	ssyncset.done $0x0  }
0x3f8: {  	[sflag:s15] =	ssyncadd.s32 $0xFFFFC000  }
0x3f9: {  	_ =	swait.ge [sflag:s15], $0x4000  }
0x3fa: {  	[sflag:s15] =	ssyncset.done $0x0  }
0x3fb: {  	[sflag:s15] =	ssyncadd.s32 $0xFFFFC000  }
0x3fc: {  	_ =	swait.ge [sflag:s20], $0x4000  }
0x3fd: {  	[sflag:s20] =	ssyncset.done $0x0  }
0x3fe: {  	[sflag:s20] =	ssyncadd.s32 $0xFFFFC000  }
0x3ff: {  	_ =	swait.ge [sflag:s20], $0x4000  }
0x400: {  	v6 =	vld [tilespmem:$0x1FCE0]  }
0x401: {  	v7 =	vld [tilespmem:$0x1FD00]  }
0x402: {  	v8 =	vld [tilespmem:$0x1FD20]  }
0x403: {  	v9 =	vld [tilespmem:$0x1FD40]  }
0x404: {  	v11 =	vld [tilespmem:$0x1FD50]  }
0x405: {  	v14 =	vld [tilespmem:$0x1FD60]  }
0x406: {  	v18 =	vld [tilespmem:$0x1FD70]  }
0x407: {  	v22 =	vld [tilespmem:$0x1FD80]  }
0x408: {  	v26 =	vld [tilespmem:$0x1FD90]  }
0x409: {  	v30 =	vld [tilespmem:$0x1FDA0]  }
0x40a: {  	v34 =	vld [tilespmem:$0x1FDB0]  }
0x40b: {  	v40 =	vld [tilespmem:$0x1FDC0]  }
0x40c: {  	v42 =	vmov v43;
	v43 =	vld [tilespmem:$0x1FDD0]  }
0x40d: {  	v44 =	vmov v45;
	v45 =	vld [tilespmem:$0x1FDE0]  }
0x40e: {  	v47 =	vld [tilespmem:$0x1FDF0]  }
0x40f: {  	v48 =	vmov v49;
	v49 =	vld [tilespmem:$0x1FE00]  }
0x410: {  	v50 =	vmov v51;
	v51 =	vld [tilespmem:$0x1FE10]  }
0x411: {  	v53 =	vld [tilespmem:$0x1FE20]  }
0x412: {  	v55 =	vld [tilespmem:$0x1FE30]  }
0x413: {  	v56 =	vmov v57;
	v57 =	vld [tilespmem:$0x1FE40]  }
0x414: {  	v59 =	vld [tilespmem:$0x1FE50]  }
0x415: {  	v62 =	vld [tilespmem:$0x1FF00]  }
0x416: {  	v31 =	vld [tilespmem:$0x1FF10]  }
0x417: {  	v23 =	vmov v61;
	v61 =	vld [tilespmem:$0x1FE60]  }
0x418: {  	v10 =	vmov v25;
	v25 =	vld [tilespmem:$0x1FE70]  }
0x419: {  	v63 =	vld [tilespmem:$0x1FE80]  }
0x41a: {  	s21 =	sadd.s32 $0x1, s21;
	v12 =	vmov v27;
	v27 =	vld [tilespmem:$0x1FE90]  }
0x41b: {  	v16 =	vmov v29;
	p0 =	sne.s32 s21, s9;
	v29 =	vld [tilespmem:$0x1FEA0]  }
.Ltmp4:
0x41c: {  	v38 =	vmov v41;
	v41 =	vld [tilespmem:$0x1FEF0];
	(pc) =	sbr.rel @p0 .LBB2_1-.Ltmp4, $4  }
0x41d: {  	v24 =	vmov v33;
	v33 =	vld [tilespmem:$0x1FEB0]  }
0x41e: {  	v28 =	vmov v35;
	v35 =	vld [tilespmem:$0x1FEC0]  }
0x41f: {  	v32 =	vmov v37;
	[sflag:s20] =	ssyncset.done $0x0;
	v37 =	vld [tilespmem:$0x1FED0]  }
0x420: {  	v20 =	vmov v0;
	v0 =	vlaneseq.u32;
	v36 =	vmov v39;
	v39 =	vld [tilespmem:$0x1FEE0];
	[sflag:s20] =	ssyncadd.s32 $0xFFFFC000  }
0x421: {  	_ =	sfence.sel $0x180000  }
0x422: {  	[bflag:$0x0] =	sbarrier.arrive $0xFFFF  }
0x423: {  	p0 =	sne.s32 s1, $0x0;
	_ =	strace $0x90000047  }
0x424: {  	s0 =	sadd.s32 @!p0 $0x100000, s0;
	[bflag:$0x2] =	sbarrier.arrive $0xFFFF  }
0x425: {  	[sflag:s0] =	ssyncadd.tile.s32 @!p0 $0x1;
	_ =	shalt  }
.Lfunc_end2:
_tile_overlayer_lowered:
.L_overlay_start_2:
0x426: {  	(tag) =	ssettag $0x2  }
0x427: {  	s0 =	rddreg [dreg:$0x0];
	s2 =	stileid.u32  }
0x428: {  	s1 =	rddreg [dreg:$0x1];
	p0 =	sne.s32 s2, $0x0  }
0x429: {  	s3 =	rddreg [dreg:$0x2];
	[bflag:$0x3] =	sbarrier.arrive $0xFFFF;
	s2 =	simm.s32 @!p0 $0x1C03  }
0x42a: {  	[timem:s3], [sflag:s2] =	dma.local @!p0 [hbm:s0], s1  }
0x42b: {  	s0 =	simm.s32 @!p0 $0x3  }
0x42c: {  	_ =	swait.ge @!p0 [sflag:s0], s1  }
0x42d: {  	s1 =	ssub.s32 @!p0 $0x0, s1;
	[sflag:s0] =	ssyncset.done @!p0 $0x0  }
0x42e: {  	[sflag:s0] =	ssyncadd.s32 @!p0 s1  }
0x42f: {  	[bflag:$0x3] =	sbarrier.arrive $0xFFFF  }
0x430: {  	_ =	shalt  }

</sc_bundles>
